<compile_context>
chip_gen: v7x
topology: tpu7x:2x2x1
jax: 0.10.2.dev20260603
libtpu: 0.0.44.dev20260713+nightly
codegen_flags: <defaults>
</compile_context>

<pallas_src>
import functools

import jax
import jax.numpy as jnp
from jax import lax
from jax.experimental import pallas as pl
from jax.experimental.pallas import tpu as pltpu
from jax.experimental.pallas import tpu_sc as plsc

N = 10000
E = 320000
D_IN = 128
H = 8
F1 = 64
F2 = 128
NTILES = 32
EPT = E // NTILES
B = 100
NSB = 10
NBS = 10
NB = NSB * NBS
ROWS_PT = 624
ROWS_REM = N - 16 * ROWS_PT

f32 = jnp.float32
i32 = jnp.int32



def _lrelu_exp(s):
    return jnp.exp(jnp.where(s >= 0, s, 0.2 * s))


def _tc1_body(x_ref, w_ref, as_ref, ad_ref, em_ref,
              h_ref, asrc_ref, adst_ref, den0_ref, acc0_ref):
    h = jnp.dot(x_ref[...], w_ref[...], preferred_element_type=f32)
    asrc = jnp.dot(h, as_ref[...], preferred_element_type=f32)
    adst = jnp.dot(h, ad_ref[...], preferred_element_type=f32)
    ws = _lrelu_exp(asrc + adst)
    h_ref[...] = h
    asrc_ref[...] = asrc
    adst_ref[...] = adst
    den0_ref[...] = 0.5 * ws
    acc0_ref[...] = 0.5 * (jnp.dot(ws, em_ref[...], preferred_element_type=f32) * h)


def _tc2_body(denp_ref, accp_ref, em1_ref, w2_ref, as2_ref, ad2_ref, em2_ref,
              h2_ref, asrc_ref, adst_ref, den0_ref, acc0_ref):
    denp = denp_ref[...]
    accp = accp_ref[...]
    den = denp[0] + denp[1] + 1e-16
    acc = accp[0] + accp[1]
    out1 = acc / jnp.dot(den, em1_ref[...], preferred_element_type=f32)
    hh = jnp.where(out1 > 0, out1, jnp.exp(out1) - 1.0)
    h2 = jnp.dot(hh, w2_ref[...], preferred_element_type=f32)
    asrc = jnp.dot(h2, as2_ref[...], preferred_element_type=f32)
    adst = jnp.dot(h2, ad2_ref[...], preferred_element_type=f32)
    ws = _lrelu_exp(asrc + adst)
    h2_ref[...] = h2
    asrc_ref[...] = asrc
    adst_ref[...] = adst
    den0_ref[...] = 0.5 * ws
    acc0_ref[...] = 0.5 * (jnp.dot(ws, em2_ref[...], preferred_element_type=f32) * h2)


def _tc3_body(denp_ref, accp_ref, em2_ref, o_ref):
    denp = denp_ref[...]
    accp = accp_ref[...]
    den = denp[0] + denp[1] + 1e-16
    acc = accp[0] + accp[1]
    out = acc / jnp.dot(den, em2_ref[...], preferred_element_type=f32)
    m = jnp.max(out, axis=-1, keepdims=True)
    z = out - m
    lse = jnp.log(jnp.sum(jnp.exp(z), axis=-1, keepdims=True))
    o_ref[...] = z - lse


_R = 2000


def _rows(shape):
    return pl.BlockSpec((_R, shape), lambda i: (i, 0))


def _full(*shape):
    return pl.BlockSpec(shape, lambda i: (0,) * len(shape))


def _prow(k):
    return pl.BlockSpec((2, _R, k), lambda i: (0, i, 0))


def _tc1(x, w1, as1, ad1, em1):
    return pl.pallas_call(
        _tc1_body,
        grid=(N // _R,),
        in_specs=[_rows(D_IN), _full(D_IN, F1), _full(F1, H), _full(F1, H),
                  _full(H, F1)],
        out_specs=[_rows(F1), _rows(H), _rows(H), _rows(H), _rows(F1)],
        out_shape=[
            jax.ShapeDtypeStruct((N, F1), f32),
            jax.ShapeDtypeStruct((N, H), f32),
            jax.ShapeDtypeStruct((N, H), f32),
            jax.ShapeDtypeStruct((N, H), f32),
            jax.ShapeDtypeStruct((N, F1), f32),
        ],
    )(x, w1, as1, ad1, em1)


def _tc2(denp, accp, em1, w2, as2, ad2, em2):
    return pl.pallas_call(
        _tc2_body,
        grid=(N // _R,),
        in_specs=[_prow(H), _prow(F1), _full(H, F1), _full(F1, F2),
                  _full(F2, H), _full(F2, H), _full(H, F2)],
        out_specs=[_rows(F2), _rows(H), _rows(H), _rows(H), _rows(F2)],
        out_shape=[
            jax.ShapeDtypeStruct((N, F2), f32),
            jax.ShapeDtypeStruct((N, H), f32),
            jax.ShapeDtypeStruct((N, H), f32),
            jax.ShapeDtypeStruct((N, H), f32),
            jax.ShapeDtypeStruct((N, F2), f32),
        ],
    )(denp, accp, em1, w2, as2, ad2, em2)


def _tc3(denp, accp, em2):
    return pl.pallas_call(
        _tc3_body,
        grid=(N // _R,),
        in_specs=[_prow(H), _prow(F2), _full(H, F2)],
        out_specs=[_rows(F2)],
        out_shape=[jax.ShapeDtypeStruct((N, F2), f32)],
    )(denp, accp, em2)



def _make_sc_layer(F):
    lgF = F.bit_length() - 1
    lgG = (F // 8).bit_length() - 1

    mesh = plsc.VectorSubcoreMesh(core_axis_name="c", subcore_axis_name="s")

    @functools.partial(
        pl.kernel,
        mesh=mesh,
        compiler_params=pltpu.CompilerParams(
            needs_layout_passes=False,
            use_tc_tiling_on_sc=False,
        ),
        out_type=[
            jax.ShapeDtypeStruct((2, N, H), f32),
            jax.ShapeDtypeStruct((2, N, F), f32),
        ],
        scratch_types=[
            pltpu.VMEM_SHARED((N, H), f32),
            pltpu.VMEM_SHARED((N, F), f32),
            pltpu.VMEM((NBS, B), i32),
            pltpu.VMEM((NBS, B), i32),
            [pltpu.VMEM((B, H), f32)] * 2,
            [pltpu.VMEM((B, H), f32)] * 2,
            [pltpu.VMEM((B, H), f32)] * 2,
            [pltpu.VMEM((B, F), f32)] * 2,
            [pltpu.SemaphoreType.DMA] * 2,
            [pltpu.SemaphoreType.DMA] * 2,
        ],
    )
    def sc_layer(src_hbm, dst_hbm, asrc_hbm, adst_hbm, h_hbm, den0_hbm,
                 acc0_hbm, den_out, acc_out,
                 sh_den, sh_acc, src_buf, dst_buf, a_s, a_d, w2d, hrows,
                 gsem, ssem):
        cid = lax.axis_index("c")
        sid = lax.axis_index("s")
        wid = cid * 16 + sid
        r0 = sid * ROWS_PT

        pltpu.sync_copy(den0_hbm.at[pl.ds(r0, ROWS_PT)],
                        sh_den.at[pl.ds(r0, ROWS_PT)])
        pltpu.sync_copy(acc0_hbm.at[pl.ds(r0, ROWS_PT)],
                        sh_acc.at[pl.ds(r0, ROWS_PT)])

        @pl.when(sid == 15)
        def _stage_rem():
            pltpu.sync_copy(den0_hbm.at[pl.ds(16 * ROWS_PT, ROWS_REM)],
                            sh_den.at[pl.ds(16 * ROWS_PT, ROWS_REM)])
            pltpu.sync_copy(acc0_hbm.at[pl.ds(16 * ROWS_PT, ROWS_REM)],
                            sh_acc.at[pl.ds(16 * ROWS_PT, ROWS_REM)])

        plsc.subcore_barrier()

        iota = lax.iota(i32, 16)
        koff = iota >> 3
        kcol = iota & 7

        def gathers(k, p):
            return [
                pltpu.async_copy(asrc_hbm.at[src_buf.at[k]], a_s[p], gsem[p]),
                pltpu.async_copy(adst_hbm.at[dst_buf.at[k]], a_d[p], gsem[p]),
            ] + ([pltpu.async_copy(h_hbm.at[src_buf.at[k]], hrows[p], gsem[p])]
                 if False else [])

        hcols = [16 * v + iota for v in range(F // 16)]
        wcols = [(16 * v + iota) >> lgG for v in range(F // 16)]

        def compute(p):
            @functools.partial(plsc.parallel_loop, 0, B * H // 16,
                               unroll=5, carry=koff)
            def _p1(j, rows):
                av = plsc.load_gather(a_s[p], [rows, kcol])
                dv = plsc.load_gather(a_d[p], [rows, kcol])
                plsc.store_scatter(w2d[p], [rows, kcol], _lrelu_exp(av + dv))
                return rows + 2

            def _p2_disabled(e, esplat):
                if F == 128:
                    wv = plsc.load_gather(w2d[p], [esplat, jnp.zeros((16,), i32)])
                for v in range(F // 16):
                    hv = plsc.load_gather(hrows[p], [esplat, hcols[v]])
                    if F != 128:
                        wv = plsc.load_gather(w2d[p], [esplat, wcols[v]])
                    plsc.store_scatter(hrows[p], [esplat, hcols[v]], hv * wv)
                return esplat + 1

        def scatters(k, p):
            return [
                pltpu.async_copy(w2d[p], sh_den.at[dst_buf.at[k]], ssem[p],
                                 add=True),
            ] + ([
                pltpu.async_copy(hrows[p], sh_acc.at[dst_buf.at[k]], ssem[p],
                                 add=True),
            ] if False else [])

        def superblock(d, carry):
            pltpu.sync_copy(src_hbm.at[wid, d], src_buf)
            pltpu.sync_copy(dst_hbm.at[wid, d], dst_buf)
            g = {0: gathers(0, 0)}
            s = {}
            for k in range(NBS):
                p = k % 2
                for c in g.pop(k):
                    c.wait()
                if k >= 1:
                    for c in s.pop(k - 1):
                        c.wait()
                if k + 1 < NBS:
                    g[k + 1] = gathers(k + 1, (k + 1) % 2)
                compute(p)
                s[k] = scatters(k, p)
            for c in s.pop(NBS - 1):
                c.wait()
            return carry

        lax.fori_loop(0, 0, superblock, 0)
        plsc.subcore_barrier()

        pltpu.sync_copy(sh_den.at[pl.ds(r0, ROWS_PT)],
                        den_out.at[cid, pl.ds(r0, ROWS_PT)])
        pltpu.sync_copy(sh_acc.at[pl.ds(r0, ROWS_PT)],
                        acc_out.at[cid, pl.ds(r0, ROWS_PT)])

        @pl.when(sid == 15)
        def _out_rem():
            pltpu.sync_copy(sh_den.at[pl.ds(16 * ROWS_PT, ROWS_REM)],
                            den_out.at[cid, pl.ds(16 * ROWS_PT, ROWS_REM)])
            pltpu.sync_copy(sh_acc.at[pl.ds(16 * ROWS_PT, ROWS_REM)],
                            acc_out.at[cid, pl.ds(16 * ROWS_PT, ROWS_REM)])

    return sc_layer


_sc1 = _make_sc_layer(F1)
_sc2 = _make_sc_layer(F2)



def _pack_a(a_flat, heads, ch):
    d = heads * ch
    rows = jnp.arange(d)[:, None] // ch
    mask = (rows == jnp.arange(8)[None, :]).astype(f32)
    return a_flat[:, None] * mask


def _expand_mat(heads, ch):
    d = heads * ch
    cols = jnp.arange(d)[None, :] // ch
    return (jnp.arange(8)[:, None] == cols).astype(f32)


def kernel(x, edge_index, W1, a_src1, a_dst1, W2, a_src2, a_dst2):
    src = edge_index[0].reshape(NTILES, NSB, NBS, B)
    dst = edge_index[1].reshape(NTILES, NSB, NBS, B)

    as1 = _pack_a(a_src1.reshape(-1), H, F1 // H)
    ad1 = _pack_a(a_dst1.reshape(-1), H, F1 // H)
    em1 = _expand_mat(H, F1 // H)
    as2 = jnp.tile(a_src2.reshape(F2, 1), (1, 8))
    ad2 = jnp.tile(a_dst2.reshape(F2, 1), (1, 8))
    em2 = _expand_mat(1, F2)[:8]

    h1, asrc1, adst1, den0h, acc0h = _tc1(x, W1, as1, ad1, em1)
    denp1, accp1 = _sc1(src, dst, asrc1, adst1, h1, den0h, acc0h)
    h2, asrc2, adst2, den02h, acc02h = _tc2(denp1, accp1, em1, W2, as2, ad2, em2)
    denp2, accp2 = _sc2(src, dst, asrc2, adst2, h2, den02h, acc02h)
    return _tc3(denp2, accp2, em2)[0]

# --- scband reference (transcript-rebuilt; emitter-appended) ---
"""Pipeline reference for scband-net-58308476010979 (READ-ONLY COPY).

The authoritative reference and input builder live on the scoring server;
editing this copy changes nothing except your own understanding.
"""

import jax, jax.numpy as jnp
import numpy as np

N = 10000
E = 320000
D_IN = 128
H1 = 8
C1 = 8
D_HID = H1 * C1  # 64
D_OUT = 128


def setup_inputs(seed: int = 0) -> dict:
    key = jax.random.key(seed)
    ks = jax.random.split(key, 8)
    x = jax.random.normal(ks[0], (N, D_IN), dtype=jnp.float32)
    edge_index = jax.random.randint(ks[1], (2, E), 0, N, dtype=jnp.int32)
    W1 = jax.random.normal(ks[2], (D_IN, H1 * C1), dtype=jnp.float32) * (1.0 / np.sqrt(D_IN))
    a_src1 = jax.random.normal(ks[3], (H1, C1), dtype=jnp.float32) * 0.1
    a_dst1 = jax.random.normal(ks[4], (H1, C1), dtype=jnp.float32) * 0.1
    W2 = jax.random.normal(ks[5], (D_HID, D_OUT), dtype=jnp.float32) * (1.0 / np.sqrt(D_HID))
    a_src2 = jax.random.normal(ks[6], (1, D_OUT), dtype=jnp.float32) * 0.1
    a_dst2 = jax.random.normal(ks[7], (1, D_OUT), dtype=jnp.float32) * 0.1
    return {"x": x, "edge_index": edge_index, "W1": W1, "a_src1": a_src1,
            "a_dst1": a_dst1, "W2": W2, "a_src2": a_src2, "a_dst2": a_dst2}


def _gat_conv(x, edge_index, W, a_src, a_dst, heads, out_ch, concat):
    # PyG GATConv (v1-style additive attention), bias=False, add_self_loops=True,
    # dropout inactive in eval mode.
    n = x.shape[0]
    loops = jnp.arange(n, dtype=edge_index.dtype)
    src = jnp.concatenate([edge_index[0], loops])
    dst = jnp.concatenate([edge_index[1], loops])
    h = (x @ W).reshape(n, heads, out_ch)
    alpha_src = (h * a_src[None, :, :]).sum(-1)  # [n, heads]
    alpha_dst = (h * a_dst[None, :, :]).sum(-1)  # [n, heads]
    e = alpha_src[src] + alpha_dst[dst]          # [E', heads]
    e = jax.nn.leaky_relu(e, negative_slope=0.2)
    m = jax.lax.stop_gradient(jax.ops.segment_max(e, dst, num_segments=n))
    ex = jnp.exp(e - m[dst])
    denom = jax.ops.segment_sum(ex, dst, num_segments=n)
    alpha = ex / (denom[dst] + 1e-16)            # softmax over incoming edges
    msg = h[src] * alpha[:, :, None]             # gather + weight
    out = jax.ops.segment_sum(msg, dst, num_segments=n)  # scatter-add aggregate
    if concat:
        return out.reshape(n, heads * out_ch)
    return out.mean(axis=1)


def reference(x, edge_index, W1, a_src1, a_dst1, W2, a_src2, a_dst2):
    # eval mode: F.dropout is identity
    h = jax.nn.elu(_gat_conv(x, edge_index, W1, a_src1, a_dst1, H1, C1, True))
    out = _gat_conv(h, edge_index, W2, a_src2, a_dst2, 1, D_OUT, False)
    return jax.nn.log_softmax(out, axis=-1)

if __name__ == "__main__":
    import jax
    _d = setup_inputs()
    print(jax.jit(kernel)(*tuple(_d.values())))

</pallas_src>

<mosaic_0001>
#map = affine_map<(d0, d1) -> (0, 0, 0, 0)>
#map1 = affine_map<(d0, d1) -> (0, 0)>
#map2 = affine_map<(d0, d1) -> (0, 0, 0)>
module attributes {stable_mosaic.version = 14 : i64} {
  func.func @sc_layer(%arg0: i32, %arg1: i32, %arg2: memref<32x10x10x100xi32, #tpu.memory_space<hbm>>, %arg3: memref<32x10x10x100xi32, #tpu.memory_space<hbm>>, %arg4: memref<10000x8xf32, #tpu.memory_space<hbm>>, %arg5: memref<10000x8xf32, #tpu.memory_space<hbm>>, %arg6: memref<10000x64xf32, #tpu.memory_space<hbm>>, %arg7: memref<10000x8xf32, #tpu.memory_space<hbm>>, %arg8: memref<10000x64xf32, #tpu.memory_space<hbm>>, %arg9: memref<2x10000x8xf32, #tpu.memory_space<hbm>>, %arg10: memref<2x10000x64xf32, #tpu.memory_space<hbm>>, %arg11: memref<10000x8xf32, #tpu.memory_space<vmem_shared>>, %arg12: memref<10000x64xf32, #tpu.memory_space<vmem_shared>>, %arg13: memref<10x100xi32, #tpu.memory_space<vmem>>, %arg14: memref<10x100xi32, #tpu.memory_space<vmem>>, %arg15: memref<100x8xf32, #tpu.memory_space<vmem>>, %arg16: memref<100x8xf32, #tpu.memory_space<vmem>>, %arg17: memref<100x8xf32, #tpu.memory_space<vmem>>, %arg18: memref<100x8xf32, #tpu.memory_space<vmem>>, %arg19: memref<100x8xf32, #tpu.memory_space<vmem>>, %arg20: memref<100x8xf32, #tpu.memory_space<vmem>>, %arg21: memref<100x64xf32, #tpu.memory_space<vmem>>, %arg22: memref<100x64xf32, #tpu.memory_space<vmem>>, %arg23: memref<!tpu.dma_semaphore, #tpu.memory_space<semaphore_mem>>, %arg24: memref<!tpu.dma_semaphore, #tpu.memory_space<semaphore_mem>>, %arg25: memref<!tpu.dma_semaphore, #tpu.memory_space<semaphore_mem>>, %arg26: memref<!tpu.dma_semaphore, #tpu.memory_space<semaphore_mem>>) attributes {dimension_semantics = [#tpu.dimension_semantics<core_parallel>, #tpu.dimension_semantics<subcore_parallel>], iteration_bounds = array<i64: 2, 16>, scalar_prefetch = 0 : i64, scratch_operands = 16 : i64, tpu.core_type = #tpu.core_type<sc_vector_subcore>, window_params = [{transform_indices = #map}, {transform_indices = #map}, {transform_indices = #map1}, {transform_indices = #map1}, {transform_indices = #map1}, {transform_indices = #map1}, {transform_indices = #map1}, {transform_indices = #map2}, {transform_indices = #map2}]} {
    %mul3A = arith.constant 16 : i32
    %mul3A_0 = arith.muli %arg0, %mul3A : i32
    %add3A = arith.addi %mul3A_0, %arg1 : i32
    %mul3A_1 = arith.constant 624 : i32
    %mul3A_2 = arith.muli %arg1, %mul3A_1 : i32
    "tpu.region"() ({
      %run_scoped3A = tpu.sem_alloc : memref<!tpu.dma_semaphore, #tpu.memory_space<semaphore_mem>>
      %dma_start3A = arith.constant 0 : i32
      %dma_start3A_55 = tpu.memref_slice %arg11[%mul3A_2, %dma_start3A] : memref<10000x8xf32, #tpu.memory_space<vmem_shared>> -> memref<624x8xf32, #tpu.memory_space<vmem_shared>>
      %dma_start3A_56 = arith.constant 0 : i32
      %dma_start3A_57 = tpu.memref_slice %arg7[%mul3A_2, %dma_start3A_56] : memref<10000x8xf32, #tpu.memory_space<hbm>> -> memref<624x8xf32, #tpu.memory_space<hbm>>
      tpu.enqueue_dma source(%dma_start3A_57 : memref<624x8xf32, #tpu.memory_space<hbm>>) target(%dma_start3A_55 : memref<624x8xf32, #tpu.memory_space<vmem_shared>>) target_semaphore(%run_scoped3A : memref<!tpu.dma_semaphore, #tpu.memory_space<semaphore_mem>>)
      %dma_wait3A = arith.constant 0 : i32
      %dma_wait3A_58 = tpu.memref_slice %arg11[%mul3A_2, %dma_wait3A] : memref<10000x8xf32, #tpu.memory_space<vmem_shared>> -> memref<624x8xf32, #tpu.memory_space<vmem_shared>>
      %dma_wait3A_59 = arith.constant 0 : i32
      %dma_wait3A_60 = tpu.memref_slice %arg7[%mul3A_2, %dma_wait3A_59] : memref<10000x8xf32, #tpu.memory_space<hbm>> -> memref<624x8xf32, #tpu.memory_space<hbm>>
      tpu.wait_dma2 semaphore(%run_scoped3A : memref<!tpu.dma_semaphore, #tpu.memory_space<semaphore_mem>>) src(%dma_wait3A_60 : memref<624x8xf32, #tpu.memory_space<hbm>>) dst(%dma_wait3A_58 : memref<624x8xf32, #tpu.memory_space<vmem_shared>>)
      tpu.yield
    }) : () -> ()
    "tpu.region"() ({
      %run_scoped3A = tpu.sem_alloc : memref<!tpu.dma_semaphore, #tpu.memory_space<semaphore_mem>>
      %dma_start3A = arith.constant 0 : i32
      %dma_start3A_55 = tpu.memref_slice %arg12[%mul3A_2, %dma_start3A] : memref<10000x64xf32, #tpu.memory_space<vmem_shared>> -> memref<624x64xf32, #tpu.memory_space<vmem_shared>>
      %dma_start3A_56 = arith.constant 0 : i32
      %dma_start3A_57 = tpu.memref_slice %arg8[%mul3A_2, %dma_start3A_56] : memref<10000x64xf32, #tpu.memory_space<hbm>> -> memref<624x64xf32, #tpu.memory_space<hbm>>
      tpu.enqueue_dma source(%dma_start3A_57 : memref<624x64xf32, #tpu.memory_space<hbm>>) target(%dma_start3A_55 : memref<624x64xf32, #tpu.memory_space<vmem_shared>>) target_semaphore(%run_scoped3A : memref<!tpu.dma_semaphore, #tpu.memory_space<semaphore_mem>>)
      %dma_wait3A = arith.constant 0 : i32
      %dma_wait3A_58 = tpu.memref_slice %arg12[%mul3A_2, %dma_wait3A] : memref<10000x64xf32, #tpu.memory_space<vmem_shared>> -> memref<624x64xf32, #tpu.memory_space<vmem_shared>>
      %dma_wait3A_59 = arith.constant 0 : i32
      %dma_wait3A_60 = tpu.memref_slice %arg8[%mul3A_2, %dma_wait3A_59] : memref<10000x64xf32, #tpu.memory_space<hbm>> -> memref<624x64xf32, #tpu.memory_space<hbm>>
      tpu.wait_dma2 semaphore(%run_scoped3A : memref<!tpu.dma_semaphore, #tpu.memory_space<semaphore_mem>>) src(%dma_wait3A_60 : memref<624x64xf32, #tpu.memory_space<hbm>>) dst(%dma_wait3A_58 : memref<624x64xf32, #tpu.memory_space<vmem_shared>>)
      tpu.yield
    }) : () -> ()
    %eq3A = arith.constant 15 : i32
    %eq3A_3 = arith.cmpi eq, %arg1, %eq3A : i32
    %convert_element_type3A = arith.extui %eq3A_3 : i1 to i32
    %cond3A = arith.constant 0 : i32
    %cond3A_4 = arith.cmpi ne, %convert_element_type3A, %cond3A : i32
    scf.if %cond3A_4 {
      "tpu.region"() ({
        %run_scoped3A = tpu.sem_alloc : memref<!tpu.dma_semaphore, #tpu.memory_space<semaphore_mem>>
        %dma_start3A = arith.constant 9984 : i32
        %dma_start3A_55 = arith.constant 0 : i32
        %dma_start3A_56 = tpu.memref_slice %arg11[%dma_start3A, %dma_start3A_55] : memref<10000x8xf32, #tpu.memory_space<vmem_shared>> -> memref<16x8xf32, #tpu.memory_space<vmem_shared>>
        %dma_start3A_57 = arith.constant 9984 : i32
        %dma_start3A_58 = arith.constant 0 : i32
        %dma_start3A_59 = tpu.memref_slice %arg7[%dma_start3A_57, %dma_start3A_58] : memref<10000x8xf32, #tpu.memory_space<hbm>> -> memref<16x8xf32, #tpu.memory_space<hbm>>
        tpu.enqueue_dma source(%dma_start3A_59 : memref<16x8xf32, #tpu.memory_space<hbm>>) target(%dma_start3A_56 : memref<16x8xf32, #tpu.memory_space<vmem_shared>>) target_semaphore(%run_scoped3A : memref<!tpu.dma_semaphore, #tpu.memory_space<semaphore_mem>>)
        %dma_wait3A = arith.constant 9984 : i32
        %dma_wait3A_60 = arith.constant 0 : i32
        %dma_wait3A_61 = tpu.memref_slice %arg11[%dma_wait3A, %dma_wait3A_60] : memref<10000x8xf32, #tpu.memory_space<vmem_shared>> -> memref<16x8xf32, #tpu.memory_space<vmem_shared>>
        %dma_wait3A_62 = arith.constant 9984 : i32
        %dma_wait3A_63 = arith.constant 0 : i32
        %dma_wait3A_64 = tpu.memref_slice %arg7[%dma_wait3A_62, %dma_wait3A_63] : memref<10000x8xf32, #tpu.memory_space<hbm>> -> memref<16x8xf32, #tpu.memory_space<hbm>>
        tpu.wait_dma2 semaphore(%run_scoped3A : memref<!tpu.dma_semaphore, #tpu.memory_space<semaphore_mem>>) src(%dma_wait3A_64 : memref<16x8xf32, #tpu.memory_space<hbm>>) dst(%dma_wait3A_61 : memref<16x8xf32, #tpu.memory_space<vmem_shared>>)
        tpu.yield
      }) : () -> ()
      "tpu.region"() ({
        %run_scoped3A = tpu.sem_alloc : memref<!tpu.dma_semaphore, #tpu.memory_space<semaphore_mem>>
        %dma_start3A = arith.constant 9984 : i32
        %dma_start3A_55 = arith.constant 0 : i32
        %dma_start3A_56 = tpu.memref_slice %arg12[%dma_start3A, %dma_start3A_55] : memref<10000x64xf32, #tpu.memory_space<vmem_shared>> -> memref<16x64xf32, #tpu.memory_space<vmem_shared>>
        %dma_start3A_57 = arith.constant 9984 : i32
        %dma_start3A_58 = arith.constant 0 : i32
        %dma_start3A_59 = tpu.memref_slice %arg8[%dma_start3A_57, %dma_start3A_58] : memref<10000x64xf32, #tpu.memory_space<hbm>> -> memref<16x64xf32, #tpu.memory_space<hbm>>
        tpu.enqueue_dma source(%dma_start3A_59 : memref<16x64xf32, #tpu.memory_space<hbm>>) target(%dma_start3A_56 : memref<16x64xf32, #tpu.memory_space<vmem_shared>>) target_semaphore(%run_scoped3A : memref<!tpu.dma_semaphore, #tpu.memory_space<semaphore_mem>>)
        %dma_wait3A = arith.constant 9984 : i32
        %dma_wait3A_60 = arith.constant 0 : i32
        %dma_wait3A_61 = tpu.memref_slice %arg12[%dma_wait3A, %dma_wait3A_60] : memref<10000x64xf32, #tpu.memory_space<vmem_shared>> -> memref<16x64xf32, #tpu.memory_space<vmem_shared>>
        %dma_wait3A_62 = arith.constant 9984 : i32
        %dma_wait3A_63 = arith.constant 0 : i32
        %dma_wait3A_64 = tpu.memref_slice %arg8[%dma_wait3A_62, %dma_wait3A_63] : memref<10000x64xf32, #tpu.memory_space<hbm>> -> memref<16x64xf32, #tpu.memory_space<hbm>>
        tpu.wait_dma2 semaphore(%run_scoped3A : memref<!tpu.dma_semaphore, #tpu.memory_space<semaphore_mem>>) src(%dma_wait3A_64 : memref<16x64xf32, #tpu.memory_space<hbm>>) dst(%dma_wait3A_61 : memref<16x64xf32, #tpu.memory_space<vmem_shared>>)
        tpu.yield
      }) : () -> ()
    } else {
    }
    %barrier3A = arith.constant 0 : index
    tpu.barrier barrier_id(%barrier3A)
    %iota3A = tpu.iota {dimensions = array<i32: 0>} : vector<16xi32>
    %shift_right_arithmetic3A = arith.constant 3 : i32
    %shift_right_arithmetic3A_5 = vector.broadcast %shift_right_arithmetic3A : i32 to vector<16xi32>
    %shift_right_arithmetic3A_6 = arith.shrsi %iota3A, %shift_right_arithmetic3A_5 : vector<16xi32>
    %and3A = arith.constant 7 : i32
    %and3A_7 = vector.broadcast %and3A : i32 to vector<16xi32>
    %and3A_8 = arith.andi %iota3A, %and3A_7 : vector<16xi32>
    %add3A_9 = arith.constant 0 : i32
    %add3A_10 = vector.broadcast %add3A_9 : i32 to vector<16xi32>
    %add3A_11 = arith.addi %add3A_10, %iota3A : vector<16xi32>
    %add3A_12 = arith.constant 16 : i32
    %add3A_13 = vector.broadcast %add3A_12 : i32 to vector<16xi32>
    %add3A_14 = arith.addi %add3A_13, %iota3A : vector<16xi32>
    %add3A_15 = arith.constant 32 : i32
    %add3A_16 = vector.broadcast %add3A_15 : i32 to vector<16xi32>
    %add3A_17 = arith.addi %add3A_16, %iota3A : vector<16xi32>
    %add3A_18 = arith.constant 48 : i32
    %add3A_19 = vector.broadcast %add3A_18 : i32 to vector<16xi32>
    %add3A_20 = arith.addi %add3A_19, %iota3A : vector<16xi32>
    %add3A_21 = arith.constant 0 : i32
    %add3A_22 = vector.broadcast %add3A_21 : i32 to vector<16xi32>
    %add3A_23 = arith.addi %add3A_22, %iota3A : vector<16xi32>
    %shift_right_arithmetic3A_24 = arith.constant 3 : i32
    %shift_right_arithmetic3A_25 = vector.broadcast %shift_right_arithmetic3A_24 : i32 to vector<16xi32>
    %shift_right_arithmetic3A_26 = arith.shrsi %add3A_23, %shift_right_arithmetic3A_25 : vector<16xi32>
    %add3A_27 = arith.constant 16 : i32
    %add3A_28 = vector.broadcast %add3A_27 : i32 to vector<16xi32>
    %add3A_29 = arith.addi %add3A_28, %iota3A : vector<16xi32>
    %shift_right_arithmetic3A_30 = arith.constant 3 : i32
    %shift_right_arithmetic3A_31 = vector.broadcast %shift_right_arithmetic3A_30 : i32 to vector<16xi32>
    %shift_right_arithmetic3A_32 = arith.shrsi %add3A_29, %shift_right_arithmetic3A_31 : vector<16xi32>
    %add3A_33 = arith.constant 32 : i32
    %add3A_34 = vector.broadcast %add3A_33 : i32 to vector<16xi32>
    %add3A_35 = arith.addi %add3A_34, %iota3A : vector<16xi32>
    %shift_right_arithmetic3A_36 = arith.constant 3 : i32
    %shift_right_arithmetic3A_37 = vector.broadcast %shift_right_arithmetic3A_36 : i32 to vector<16xi32>
    %shift_right_arithmetic3A_38 = arith.shrsi %add3A_35, %shift_right_arithmetic3A_37 : vector<16xi32>
    %add3A_39 = arith.constant 48 : i32
    %add3A_40 = vector.broadcast %add3A_39 : i32 to vector<16xi32>
    %add3A_41 = arith.addi %add3A_40, %iota3A : vector<16xi32>
    %shift_right_arithmetic3A_42 = arith.constant 3 : i32
    %shift_right_arithmetic3A_43 = vector.broadcast %shift_right_arithmetic3A_42 : i32 to vector<16xi32>
    %shift_right_arithmetic3A_44 = arith.shrsi %add3A_41, %shift_right_arithmetic3A_43 : vector<16xi32>
    %scan3A = arith.constant 0 : i32
    %scan3A_45 = arith.constant 0 : i32
    %scan3A_46 = arith.constant 0 : i32
    %scan3A_47 = arith.addi %scan3A_45, %scan3A_46 : i32
    %scan3A_48 = arith.constant 0 : i32
    %barrier3A_49 = arith.constant 0 : index
    tpu.barrier barrier_id(%barrier3A_49)
    "tpu.region"() ({
      %run_scoped3A = tpu.sem_alloc : memref<!tpu.dma_semaphore, #tpu.memory_space<semaphore_mem>>
      %dma_start3A = arith.constant 0 : i32
      %dma_start3A_55 = tpu.memref_slice %arg9[%arg0, %mul3A_2, %dma_start3A] : memref<2x10000x8xf32, #tpu.memory_space<hbm>> -> memref<1x624x8xf32, #tpu.memory_space<hbm>>
      %dma_start3A_56 = tpu.memref_squeeze %dma_start3A_55 : memref<1x624x8xf32, #tpu.memory_space<hbm>> -> memref<624x8xf32, #tpu.memory_space<hbm>>
      %dma_start3A_57 = arith.constant 0 : i32
      %dma_start3A_58 = tpu.memref_slice %arg11[%mul3A_2, %dma_start3A_57] : memref<10000x8xf32, #tpu.memory_space<vmem_shared>> -> memref<624x8xf32, #tpu.memory_space<vmem_shared>>
      tpu.enqueue_dma source(%dma_start3A_58 : memref<624x8xf32, #tpu.memory_space<vmem_shared>>) target(%dma_start3A_56 : memref<624x8xf32, #tpu.memory_space<hbm>>) target_semaphore(%run_scoped3A : memref<!tpu.dma_semaphore, #tpu.memory_space<semaphore_mem>>)
      %dma_wait3A = arith.constant 0 : i32
      %dma_wait3A_59 = tpu.memref_slice %arg9[%arg0, %mul3A_2, %dma_wait3A] : memref<2x10000x8xf32, #tpu.memory_space<hbm>> -> memref<1x624x8xf32, #tpu.memory_space<hbm>>
      %dma_wait3A_60 = tpu.memref_squeeze %dma_wait3A_59 : memref<1x624x8xf32, #tpu.memory_space<hbm>> -> memref<624x8xf32, #tpu.memory_space<hbm>>
      %dma_wait3A_61 = arith.constant 0 : i32
      %dma_wait3A_62 = tpu.memref_slice %arg11[%mul3A_2, %dma_wait3A_61] : memref<10000x8xf32, #tpu.memory_space<vmem_shared>> -> memref<624x8xf32, #tpu.memory_space<vmem_shared>>
      tpu.wait_dma2 semaphore(%run_scoped3A : memref<!tpu.dma_semaphore, #tpu.memory_space<semaphore_mem>>) src(%dma_wait3A_62 : memref<624x8xf32, #tpu.memory_space<vmem_shared>>) dst(%dma_wait3A_60 : memref<624x8xf32, #tpu.memory_space<hbm>>)
      tpu.yield
    }) : () -> ()
    "tpu.region"() ({
      %run_scoped3A = tpu.sem_alloc : memref<!tpu.dma_semaphore, #tpu.memory_space<semaphore_mem>>
      %dma_start3A = arith.constant 0 : i32
      %dma_start3A_55 = tpu.memref_slice %arg10[%arg0, %mul3A_2, %dma_start3A] : memref<2x10000x64xf32, #tpu.memory_space<hbm>> -> memref<1x624x64xf32, #tpu.memory_space<hbm>>
      %dma_start3A_56 = tpu.memref_squeeze %dma_start3A_55 : memref<1x624x64xf32, #tpu.memory_space<hbm>> -> memref<624x64xf32, #tpu.memory_space<hbm>>
      %dma_start3A_57 = arith.constant 0 : i32
      %dma_start3A_58 = tpu.memref_slice %arg12[%mul3A_2, %dma_start3A_57] : memref<10000x64xf32, #tpu.memory_space<vmem_shared>> -> memref<624x64xf32, #tpu.memory_space<vmem_shared>>
      tpu.enqueue_dma source(%dma_start3A_58 : memref<624x64xf32, #tpu.memory_space<vmem_shared>>) target(%dma_start3A_56 : memref<624x64xf32, #tpu.memory_space<hbm>>) target_semaphore(%run_scoped3A : memref<!tpu.dma_semaphore, #tpu.memory_space<semaphore_mem>>)
      %dma_wait3A = arith.constant 0 : i32
      %dma_wait3A_59 = tpu.memref_slice %arg10[%arg0, %mul3A_2, %dma_wait3A] : memref<2x10000x64xf32, #tpu.memory_space<hbm>> -> memref<1x624x64xf32, #tpu.memory_space<hbm>>
      %dma_wait3A_60 = tpu.memref_squeeze %dma_wait3A_59 : memref<1x624x64xf32, #tpu.memory_space<hbm>> -> memref<624x64xf32, #tpu.memory_space<hbm>>
      %dma_wait3A_61 = arith.constant 0 : i32
      %dma_wait3A_62 = tpu.memref_slice %arg12[%mul3A_2, %dma_wait3A_61] : memref<10000x64xf32, #tpu.memory_space<vmem_shared>> -> memref<624x64xf32, #tpu.memory_space<vmem_shared>>
      tpu.wait_dma2 semaphore(%run_scoped3A : memref<!tpu.dma_semaphore, #tpu.memory_space<semaphore_mem>>) src(%dma_wait3A_62 : memref<624x64xf32, #tpu.memory_space<vmem_shared>>) dst(%dma_wait3A_60 : memref<624x64xf32, #tpu.memory_space<hbm>>)
      tpu.yield
    }) : () -> ()
    %eq3A_50 = arith.constant 15 : i32
    %eq3A_51 = arith.cmpi eq, %arg1, %eq3A_50 : i32
    %convert_element_type3A_52 = arith.extui %eq3A_51 : i1 to i32
    %cond3A_53 = arith.constant 0 : i32
    %cond3A_54 = arith.cmpi ne, %convert_element_type3A_52, %cond3A_53 : i32
    scf.if %cond3A_54 {
      "tpu.region"() ({
        %run_scoped3A = tpu.sem_alloc : memref<!tpu.dma_semaphore, #tpu.memory_space<semaphore_mem>>
        %dma_start3A = arith.constant 9984 : i32
        %dma_start3A_55 = arith.constant 0 : i32
        %dma_start3A_56 = tpu.memref_slice %arg9[%arg0, %dma_start3A, %dma_start3A_55] : memref<2x10000x8xf32, #tpu.memory_space<hbm>> -> memref<1x16x8xf32, #tpu.memory_space<hbm>>
        %dma_start3A_57 = tpu.memref_squeeze %dma_start3A_56 : memref<1x16x8xf32, #tpu.memory_space<hbm>> -> memref<16x8xf32, #tpu.memory_space<hbm>>
        %dma_start3A_58 = arith.constant 9984 : i32
        %dma_start3A_59 = arith.constant 0 : i32
        %dma_start3A_60 = tpu.memref_slice %arg11[%dma_start3A_58, %dma_start3A_59] : memref<10000x8xf32, #tpu.memory_space<vmem_shared>> -> memref<16x8xf32, #tpu.memory_space<vmem_shared>>
        tpu.enqueue_dma source(%dma_start3A_60 : memref<16x8xf32, #tpu.memory_space<vmem_shared>>) target(%dma_start3A_57 : memref<16x8xf32, #tpu.memory_space<hbm>>) target_semaphore(%run_scoped3A : memref<!tpu.dma_semaphore, #tpu.memory_space<semaphore_mem>>)
        %dma_wait3A = arith.constant 9984 : i32
        %dma_wait3A_61 = arith.constant 0 : i32
        %dma_wait3A_62 = tpu.memref_slice %arg9[%arg0, %dma_wait3A, %dma_wait3A_61] : memref<2x10000x8xf32, #tpu.memory_space<hbm>> -> memref<1x16x8xf32, #tpu.memory_space<hbm>>
        %dma_wait3A_63 = tpu.memref_squeeze %dma_wait3A_62 : memref<1x16x8xf32, #tpu.memory_space<hbm>> -> memref<16x8xf32, #tpu.memory_space<hbm>>
        %dma_wait3A_64 = arith.constant 9984 : i32
        %dma_wait3A_65 = arith.constant 0 : i32
        %dma_wait3A_66 = tpu.memref_slice %arg11[%dma_wait3A_64, %dma_wait3A_65] : memref<10000x8xf32, #tpu.memory_space<vmem_shared>> -> memref<16x8xf32, #tpu.memory_space<vmem_shared>>
        tpu.wait_dma2 semaphore(%run_scoped3A : memref<!tpu.dma_semaphore, #tpu.memory_space<semaphore_mem>>) src(%dma_wait3A_66 : memref<16x8xf32, #tpu.memory_space<vmem_shared>>) dst(%dma_wait3A_63 : memref<16x8xf32, #tpu.memory_space<hbm>>)
        tpu.yield
      }) : () -> ()
      "tpu.region"() ({
        %run_scoped3A = tpu.sem_alloc : memref<!tpu.dma_semaphore, #tpu.memory_space<semaphore_mem>>
        %dma_start3A = arith.constant 9984 : i32
        %dma_start3A_55 = arith.constant 0 : i32
        %dma_start3A_56 = tpu.memref_slice %arg10[%arg0, %dma_start3A, %dma_start3A_55] : memref<2x10000x64xf32, #tpu.memory_space<hbm>> -> memref<1x16x64xf32, #tpu.memory_space<hbm>>
        %dma_start3A_57 = tpu.memref_squeeze %dma_start3A_56 : memref<1x16x64xf32, #tpu.memory_space<hbm>> -> memref<16x64xf32, #tpu.memory_space<hbm>>
        %dma_start3A_58 = arith.constant 9984 : i32
        %dma_start3A_59 = arith.constant 0 : i32
        %dma_start3A_60 = tpu.memref_slice %arg12[%dma_start3A_58, %dma_start3A_59] : memref<10000x64xf32, #tpu.memory_space<vmem_shared>> -> memref<16x64xf32, #tpu.memory_space<vmem_shared>>
        tpu.enqueue_dma source(%dma_start3A_60 : memref<16x64xf32, #tpu.memory_space<vmem_shared>>) target(%dma_start3A_57 : memref<16x64xf32, #tpu.memory_space<hbm>>) target_semaphore(%run_scoped3A : memref<!tpu.dma_semaphore, #tpu.memory_space<semaphore_mem>>)
        %dma_wait3A = arith.constant 9984 : i32
        %dma_wait3A_61 = arith.constant 0 : i32
        %dma_wait3A_62 = tpu.memref_slice %arg10[%arg0, %dma_wait3A, %dma_wait3A_61] : memref<2x10000x64xf32, #tpu.memory_space<hbm>> -> memref<1x16x64xf32, #tpu.memory_space<hbm>>
        %dma_wait3A_63 = tpu.memref_squeeze %dma_wait3A_62 : memref<1x16x64xf32, #tpu.memory_space<hbm>> -> memref<16x64xf32, #tpu.memory_space<hbm>>
        %dma_wait3A_64 = arith.constant 9984 : i32
        %dma_wait3A_65 = arith.constant 0 : i32
        %dma_wait3A_66 = tpu.memref_slice %arg12[%dma_wait3A_64, %dma_wait3A_65] : memref<10000x64xf32, #tpu.memory_space<vmem_shared>> -> memref<16x64xf32, #tpu.memory_space<vmem_shared>>
        tpu.wait_dma2 semaphore(%run_scoped3A : memref<!tpu.dma_semaphore, #tpu.memory_space<semaphore_mem>>) src(%dma_wait3A_66 : memref<16x64xf32, #tpu.memory_space<vmem_shared>>) dst(%dma_wait3A_63 : memref<16x64xf32, #tpu.memory_space<hbm>>)
        tpu.yield
      }) : () -> ()
    } else {
    }
    return
  }
}

#map = affine_map<(d0, d1) -> (0, 0, 0, 0)>
#map1 = affine_map<(d0, d1) -> (0, 0)>
#map2 = affine_map<(d0, d1) -> (0, 0, 0)>
module attributes {stable_mosaic.version = 14 : i64} {
  func.func @sc_layer(%arg0: i32, %arg1: i32, %arg2: memref<32x10x10x100xi32, #tpu.memory_space<hbm>>, %arg3: memref<32x10x10x100xi32, #tpu.memory_space<hbm>>, %arg4: memref<10000x8xf32, #tpu.memory_space<hbm>>, %arg5: memref<10000x8xf32, #tpu.memory_space<hbm>>, %arg6: memref<10000x128xf32, #tpu.memory_space<hbm>>, %arg7: memref<10000x8xf32, #tpu.memory_space<hbm>>, %arg8: memref<10000x128xf32, #tpu.memory_space<hbm>>, %arg9: memref<2x10000x8xf32, #tpu.memory_space<hbm>>, %arg10: memref<2x10000x128xf32, #tpu.memory_space<hbm>>, %arg11: memref<10000x8xf32, #tpu.memory_space<vmem_shared>>, %arg12: memref<10000x128xf32, #tpu.memory_space<vmem_shared>>, %arg13: memref<10x100xi32, #tpu.memory_space<vmem>>, %arg14: memref<10x100xi32, #tpu.memory_space<vmem>>, %arg15: memref<100x8xf32, #tpu.memory_space<vmem>>, %arg16: memref<100x8xf32, #tpu.memory_space<vmem>>, %arg17: memref<100x8xf32, #tpu.memory_space<vmem>>, %arg18: memref<100x8xf32, #tpu.memory_space<vmem>>, %arg19: memref<100x8xf32, #tpu.memory_space<vmem>>, %arg20: memref<100x8xf32, #tpu.memory_space<vmem>>, %arg21: memref<100x128xf32, #tpu.memory_space<vmem>>, %arg22: memref<100x128xf32, #tpu.memory_space<vmem>>, %arg23: memref<!tpu.dma_semaphore, #tpu.memory_space<semaphore_mem>>, %arg24: memref<!tpu.dma_semaphore, #tpu.memory_space<semaphore_mem>>, %arg25: memref<!tpu.dma_semaphore, #tpu.memory_space<semaphore_mem>>, %arg26: memref<!tpu.dma_semaphore, #tpu.memory_space<semaphore_mem>>) attributes {dimension_semantics = [#tpu.dimension_semantics<core_parallel>, #tpu.dimension_semantics<subcore_parallel>], iteration_bounds = array<i64: 2, 16>, scalar_prefetch = 0 : i64, scratch_operands = 16 : i64, tpu.core_type = #tpu.core_type<sc_vector_subcore>, window_params = [{transform_indices = #map}, {transform_indices = #map}, {transform_indices = #map1}, {transform_indices = #map1}, {transform_indices = #map1}, {transform_indices = #map1}, {transform_indices = #map1}, {transform_indices = #map2}, {transform_indices = #map2}]} {
    %mul3A = arith.constant 16 : i32
    %mul3A_0 = arith.muli %arg0, %mul3A : i32
    %add3A = arith.addi %mul3A_0, %arg1 : i32
    %mul3A_1 = arith.constant 624 : i32
    %mul3A_2 = arith.muli %arg1, %mul3A_1 : i32
    "tpu.region"() ({
      %run_scoped3A = tpu.sem_alloc : memref<!tpu.dma_semaphore, #tpu.memory_space<semaphore_mem>>
      %dma_start3A = arith.constant 0 : i32
      %dma_start3A_91 = tpu.memref_slice %arg11[%mul3A_2, %dma_start3A] : memref<10000x8xf32, #tpu.memory_space<vmem_shared>> -> memref<624x8xf32, #tpu.memory_space<vmem_shared>>
      %dma_start3A_92 = arith.constant 0 : i32
      %dma_start3A_93 = tpu.memref_slice %arg7[%mul3A_2, %dma_start3A_92] : memref<10000x8xf32, #tpu.memory_space<hbm>> -> memref<624x8xf32, #tpu.memory_space<hbm>>
      tpu.enqueue_dma source(%dma_start3A_93 : memref<624x8xf32, #tpu.memory_space<hbm>>) target(%dma_start3A_91 : memref<624x8xf32, #tpu.memory_space<vmem_shared>>) target_semaphore(%run_scoped3A : memref<!tpu.dma_semaphore, #tpu.memory_space<semaphore_mem>>)
      %dma_wait3A = arith.constant 0 : i32
      %dma_wait3A_94 = tpu.memref_slice %arg11[%mul3A_2, %dma_wait3A] : memref<10000x8xf32, #tpu.memory_space<vmem_shared>> -> memref<624x8xf32, #tpu.memory_space<vmem_shared>>
      %dma_wait3A_95 = arith.constant 0 : i32
      %dma_wait3A_96 = tpu.memref_slice %arg7[%mul3A_2, %dma_wait3A_95] : memref<10000x8xf32, #tpu.memory_space<hbm>> -> memref<624x8xf32, #tpu.memory_space<hbm>>
      tpu.wait_dma2 semaphore(%run_scoped3A : memref<!tpu.dma_semaphore, #tpu.memory_space<semaphore_mem>>) src(%dma_wait3A_96 : memref<624x8xf32, #tpu.memory_space<hbm>>) dst(%dma_wait3A_94 : memref<624x8xf32, #tpu.memory_space<vmem_shared>>)
      tpu.yield
    }) : () -> ()
    "tpu.region"() ({
      %run_scoped3A = tpu.sem_alloc : memref<!tpu.dma_semaphore, #tpu.memory_space<semaphore_mem>>
      %dma_start3A = arith.constant 0 : i32
      %dma_start3A_91 = tpu.memref_slice %arg12[%mul3A_2, %dma_start3A] : memref<10000x128xf32, #tpu.memory_space<vmem_shared>> -> memref<624x128xf32, #tpu.memory_space<vmem_shared>>
      %dma_start3A_92 = arith.constant 0 : i32
      %dma_start3A_93 = tpu.memref_slice %arg8[%mul3A_2, %dma_start3A_92] : memref<10000x128xf32, #tpu.memory_space<hbm>> -> memref<624x128xf32, #tpu.memory_space<hbm>>
      tpu.enqueue_dma source(%dma_start3A_93 : memref<624x128xf32, #tpu.memory_space<hbm>>) target(%dma_start3A_91 : memref<624x128xf32, #tpu.memory_space<vmem_shared>>) target_semaphore(%run_scoped3A : memref<!tpu.dma_semaphore, #tpu.memory_space<semaphore_mem>>)
      %dma_wait3A = arith.constant 0 : i32
      %dma_wait3A_94 = tpu.memref_slice %arg12[%mul3A_2, %dma_wait3A] : memref<10000x128xf32, #tpu.memory_space<vmem_shared>> -> memref<624x128xf32, #tpu.memory_space<vmem_shared>>
      %dma_wait3A_95 = arith.constant 0 : i32
      %dma_wait3A_96 = tpu.memref_slice %arg8[%mul3A_2, %dma_wait3A_95] : memref<10000x128xf32, #tpu.memory_space<hbm>> -> memref<624x128xf32, #tpu.memory_space<hbm>>
      tpu.wait_dma2 semaphore(%run_scoped3A : memref<!tpu.dma_semaphore, #tpu.memory_space<semaphore_mem>>) src(%dma_wait3A_96 : memref<624x128xf32, #tpu.memory_space<hbm>>) dst(%dma_wait3A_94 : memref<624x128xf32, #tpu.memory_space<vmem_shared>>)
      tpu.yield
    }) : () -> ()
    %eq3A = arith.constant 15 : i32
    %eq3A_3 = arith.cmpi eq, %arg1, %eq3A : i32
    %convert_element_type3A = arith.extui %eq3A_3 : i1 to i32
    %cond3A = arith.constant 0 : i32
    %cond3A_4 = arith.cmpi ne, %convert_element_type3A, %cond3A : i32
    scf.if %cond3A_4 {
      "tpu.region"() ({
        %run_scoped3A = tpu.sem_alloc : memref<!tpu.dma_semaphore, #tpu.memory_space<semaphore_mem>>
        %dma_start3A = arith.constant 9984 : i32
        %dma_start3A_91 = arith.constant 0 : i32
        %dma_start3A_92 = tpu.memref_slice %arg11[%dma_start3A, %dma_start3A_91] : memref<10000x8xf32, #tpu.memory_space<vmem_shared>> -> memref<16x8xf32, #tpu.memory_space<vmem_shared>>
        %dma_start3A_93 = arith.constant 9984 : i32
        %dma_start3A_94 = arith.constant 0 : i32
        %dma_start3A_95 = tpu.memref_slice %arg7[%dma_start3A_93, %dma_start3A_94] : memref<10000x8xf32, #tpu.memory_space<hbm>> -> memref<16x8xf32, #tpu.memory_space<hbm>>
        tpu.enqueue_dma source(%dma_start3A_95 : memref<16x8xf32, #tpu.memory_space<hbm>>) target(%dma_start3A_92 : memref<16x8xf32, #tpu.memory_space<vmem_shared>>) target_semaphore(%run_scoped3A : memref<!tpu.dma_semaphore, #tpu.memory_space<semaphore_mem>>)
        %dma_wait3A = arith.constant 9984 : i32
        %dma_wait3A_96 = arith.constant 0 : i32
        %dma_wait3A_97 = tpu.memref_slice %arg11[%dma_wait3A, %dma_wait3A_96] : memref<10000x8xf32, #tpu.memory_space<vmem_shared>> -> memref<16x8xf32, #tpu.memory_space<vmem_shared>>
        %dma_wait3A_98 = arith.constant 9984 : i32
        %dma_wait3A_99 = arith.constant 0 : i32
        %dma_wait3A_100 = tpu.memref_slice %arg7[%dma_wait3A_98, %dma_wait3A_99] : memref<10000x8xf32, #tpu.memory_space<hbm>> -> memref<16x8xf32, #tpu.memory_space<hbm>>
        tpu.wait_dma2 semaphore(%run_scoped3A : memref<!tpu.dma_semaphore, #tpu.memory_space<semaphore_mem>>) src(%dma_wait3A_100 : memref<16x8xf32, #tpu.memory_space<hbm>>) dst(%dma_wait3A_97 : memref<16x8xf32, #tpu.memory_space<vmem_shared>>)
        tpu.yield
      }) : () -> ()
      "tpu.region"() ({
        %run_scoped3A = tpu.sem_alloc : memref<!tpu.dma_semaphore, #tpu.memory_space<semaphore_mem>>
        %dma_start3A = arith.constant 9984 : i32
        %dma_start3A_91 = arith.constant 0 : i32
        %dma_start3A_92 = tpu.memref_slice %arg12[%dma_start3A, %dma_start3A_91] : memref<10000x128xf32, #tpu.memory_space<vmem_shared>> -> memref<16x128xf32, #tpu.memory_space<vmem_shared>>
        %dma_start3A_93 = arith.constant 9984 : i32
        %dma_start3A_94 = arith.constant 0 : i32
        %dma_start3A_95 = tpu.memref_slice %arg8[%dma_start3A_93, %dma_start3A_94] : memref<10000x128xf32, #tpu.memory_space<hbm>> -> memref<16x128xf32, #tpu.memory_space<hbm>>
        tpu.enqueue_dma source(%dma_start3A_95 : memref<16x128xf32, #tpu.memory_space<hbm>>) target(%dma_start3A_92 : memref<16x128xf32, #tpu.memory_space<vmem_shared>>) target_semaphore(%run_scoped3A : memref<!tpu.dma_semaphore, #tpu.memory_space<semaphore_mem>>)
        %dma_wait3A = arith.constant 9984 : i32
        %dma_wait3A_96 = arith.constant 0 : i32
        %dma_wait3A_97 = tpu.memref_slice %arg12[%dma_wait3A, %dma_wait3A_96] : memref<10000x128xf32, #tpu.memory_space<vmem_shared>> -> memref<16x128xf32, #tpu.memory_space<vmem_shared>>
        %dma_wait3A_98 = arith.constant 9984 : i32
        %dma_wait3A_99 = arith.constant 0 : i32
        %dma_wait3A_100 = tpu.memref_slice %arg8[%dma_wait3A_98, %dma_wait3A_99] : memref<10000x128xf32, #tpu.memory_space<hbm>> -> memref<16x128xf32, #tpu.memory_space<hbm>>
        tpu.wait_dma2 semaphore(%run_scoped3A : memref<!tpu.dma_semaphore, #tpu.memory_space<semaphore_mem>>) src(%dma_wait3A_100 : memref<16x128xf32, #tpu.memory_space<hbm>>) dst(%dma_wait3A_97 : memref<16x128xf32, #tpu.memory_space<vmem_shared>>)
        tpu.yield
      }) : () -> ()
    } else {
    }
    %barrier3A = arith.constant 0 : index
    tpu.barrier barrier_id(%barrier3A)
    %iota3A = tpu.iota {dimensions = array<i32: 0>} : vector<16xi32>
    %shift_right_arithmetic3A = arith.constant 3 : i32
    %shift_right_arithmetic3A_5 = vector.broadcast %shift_right_arithmetic3A : i32 to vector<16xi32>
    %shift_right_arithmetic3A_6 = arith.shrsi %iota3A, %shift_right_arithmetic3A_5 : vector<16xi32>
    %and3A = arith.constant 7 : i32
    %and3A_7 = vector.broadcast %and3A : i32 to vector<16xi32>
    %and3A_8 = arith.andi %iota3A, %and3A_7 : vector<16xi32>
    %add3A_9 = arith.constant 0 : i32
    %add3A_10 = vector.broadcast %add3A_9 : i32 to vector<16xi32>
    %add3A_11 = arith.addi %add3A_10, %iota3A : vector<16xi32>
    %add3A_12 = arith.constant 16 : i32
    %add3A_13 = vector.broadcast %add3A_12 : i32 to vector<16xi32>
    %add3A_14 = arith.addi %add3A_13, %iota3A : vector<16xi32>
    %add3A_15 = arith.constant 32 : i32
    %add3A_16 = vector.broadcast %add3A_15 : i32 to vector<16xi32>
    %add3A_17 = arith.addi %add3A_16, %iota3A : vector<16xi32>
    %add3A_18 = arith.constant 48 : i32
    %add3A_19 = vector.broadcast %add3A_18 : i32 to vector<16xi32>
    %add3A_20 = arith.addi %add3A_19, %iota3A : vector<16xi32>
    %add3A_21 = arith.constant 64 : i32
    %add3A_22 = vector.broadcast %add3A_21 : i32 to vector<16xi32>
    %add3A_23 = arith.addi %add3A_22, %iota3A : vector<16xi32>
    %add3A_24 = arith.constant 80 : i32
    %add3A_25 = vector.broadcast %add3A_24 : i32 to vector<16xi32>
    %add3A_26 = arith.addi %add3A_25, %iota3A : vector<16xi32>
    %add3A_27 = arith.constant 96 : i32
    %add3A_28 = vector.broadcast %add3A_27 : i32 to vector<16xi32>
    %add3A_29 = arith.addi %add3A_28, %iota3A : vector<16xi32>
    %add3A_30 = arith.constant 112 : i32
    %add3A_31 = vector.broadcast %add3A_30 : i32 to vector<16xi32>
    %add3A_32 = arith.addi %add3A_31, %iota3A : vector<16xi32>
    %add3A_33 = arith.constant 0 : i32
    %add3A_34 = vector.broadcast %add3A_33 : i32 to vector<16xi32>
    %add3A_35 = arith.addi %add3A_34, %iota3A : vector<16xi32>
    %shift_right_arithmetic3A_36 = arith.constant 4 : i32
    %shift_right_arithmetic3A_37 = vector.broadcast %shift_right_arithmetic3A_36 : i32 to vector<16xi32>
    %shift_right_arithmetic3A_38 = arith.shrsi %add3A_35, %shift_right_arithmetic3A_37 : vector<16xi32>
    %add3A_39 = arith.constant 16 : i32
    %add3A_40 = vector.broadcast %add3A_39 : i32 to vector<16xi32>
    %add3A_41 = arith.addi %add3A_40, %iota3A : vector<16xi32>
    %shift_right_arithmetic3A_42 = arith.constant 4 : i32
    %shift_right_arithmetic3A_43 = vector.broadcast %shift_right_arithmetic3A_42 : i32 to vector<16xi32>
    %shift_right_arithmetic3A_44 = arith.shrsi %add3A_41, %shift_right_arithmetic3A_43 : vector<16xi32>
    %add3A_45 = arith.constant 32 : i32
    %add3A_46 = vector.broadcast %add3A_45 : i32 to vector<16xi32>
    %add3A_47 = arith.addi %add3A_46, %iota3A : vector<16xi32>
    %shift_right_arithmetic3A_48 = arith.constant 4 : i32
    %shift_right_arithmetic3A_49 = vector.broadcast %shift_right_arithmetic3A_48 : i32 to vector<16xi32>
    %shift_right_arithmetic3A_50 = arith.shrsi %add3A_47, %shift_right_arithmetic3A_49 : vector<16xi32>
    %add3A_51 = arith.constant 48 : i32
    %add3A_52 = vector.broadcast %add3A_51 : i32 to vector<16xi32>
    %add3A_53 = arith.addi %add3A_52, %iota3A : vector<16xi32>
    %shift_right_arithmetic3A_54 = arith.constant 4 : i32
    %shift_right_arithmetic3A_55 = vector.broadcast %shift_right_arithmetic3A_54 : i32 to vector<16xi32>
    %shift_right_arithmetic3A_56 = arith.shrsi %add3A_53, %shift_right_arithmetic3A_55 : vector<16xi32>
    %add3A_57 = arith.constant 64 : i32
    %add3A_58 = vector.broadcast %add3A_57 : i32 to vector<16xi32>
    %add3A_59 = arith.addi %add3A_58, %iota3A : vector<16xi32>
    %shift_right_arithmetic3A_60 = arith.constant 4 : i32
    %shift_right_arithmetic3A_61 = vector.broadcast %shift_right_arithmetic3A_60 : i32 to vector<16xi32>
    %shift_right_arithmetic3A_62 = arith.shrsi %add3A_59, %shift_right_arithmetic3A_61 : vector<16xi32>
    %add3A_63 = arith.constant 80 : i32
    %add3A_64 = vector.broadcast %add3A_63 : i32 to vector<16xi32>
    %add3A_65 = arith.addi %add3A_64, %iota3A : vector<16xi32>
    %shift_right_arithmetic3A_66 = arith.constant 4 : i32
    %shift_right_arithmetic3A_67 = vector.broadcast %shift_right_arithmetic3A_66 : i32 to vector<16xi32>
    %shift_right_arithmetic3A_68 = arith.shrsi %add3A_65, %shift_right_arithmetic3A_67 : vector<16xi32>
    %add3A_69 = arith.constant 96 : i32
    %add3A_70 = vector.broadcast %add3A_69 : i32 to vector<16xi32>
    %add3A_71 = arith.addi %add3A_70, %iota3A : vector<16xi32>
    %shift_right_arithmetic3A_72 = arith.constant 4 : i32
    %shift_right_arithmetic3A_73 = vector.broadcast %shift_right_arithmetic3A_72 : i32 to vector<16xi32>
    %shift_right_arithmetic3A_74 = arith.shrsi %add3A_71, %shift_right_arithmetic3A_73 : vector<16xi32>
    %add3A_75 = arith.constant 112 : i32
    %add3A_76 = vector.broadcast %add3A_75 : i32 to vector<16xi32>
    %add3A_77 = arith.addi %add3A_76, %iota3A : vector<16xi32>
    %shift_right_arithmetic3A_78 = arith.constant 4 : i32
    %shift_right_arithmetic3A_79 = vector.broadcast %shift_right_arithmetic3A_78 : i32 to vector<16xi32>
    %shift_right_arithmetic3A_80 = arith.shrsi %add3A_77, %shift_right_arithmetic3A_79 : vector<16xi32>
    %scan3A = arith.constant 0 : i32
    %scan3A_81 = arith.constant 0 : i32
    %scan3A_82 = arith.constant 0 : i32
    %scan3A_83 = arith.addi %scan3A_81, %scan3A_82 : i32
    %scan3A_84 = arith.constant 0 : i32
    %barrier3A_85 = arith.constant 0 : index
    tpu.barrier barrier_id(%barrier3A_85)
    "tpu.region"() ({
      %run_scoped3A = tpu.sem_alloc : memref<!tpu.dma_semaphore, #tpu.memory_space<semaphore_mem>>
      %dma_start3A = arith.constant 0 : i32
      %dma_start3A_91 = tpu.memref_slice %arg9[%arg0, %mul3A_2, %dma_start3A] : memref<2x10000x8xf32, #tpu.memory_space<hbm>> -> memref<1x624x8xf32, #tpu.memory_space<hbm>>
      %dma_start3A_92 = tpu.memref_squeeze %dma_start3A_91 : memref<1x624x8xf32, #tpu.memory_space<hbm>> -> memref<624x8xf32, #tpu.memory_space<hbm>>
      %dma_start3A_93 = arith.constant 0 : i32
      %dma_start3A_94 = tpu.memref_slice %arg11[%mul3A_2, %dma_start3A_93] : memref<10000x8xf32, #tpu.memory_space<vmem_shared>> -> memref<624x8xf32, #tpu.memory_space<vmem_shared>>
      tpu.enqueue_dma source(%dma_start3A_94 : memref<624x8xf32, #tpu.memory_space<vmem_shared>>) target(%dma_start3A_92 : memref<624x8xf32, #tpu.memory_space<hbm>>) target_semaphore(%run_scoped3A : memref<!tpu.dma_semaphore, #tpu.memory_space<semaphore_mem>>)
      %dma_wait3A = arith.constant 0 : i32
      %dma_wait3A_95 = tpu.memref_slice %arg9[%arg0, %mul3A_2, %dma_wait3A] : memref<2x10000x8xf32, #tpu.memory_space<hbm>> -> memref<1x624x8xf32, #tpu.memory_space<hbm>>
      %dma_wait3A_96 = tpu.memref_squeeze %dma_wait3A_95 : memref<1x624x8xf32, #tpu.memory_space<hbm>> -> memref<624x8xf32, #tpu.memory_space<hbm>>
      %dma_wait3A_97 = arith.constant 0 : i32
      %dma_wait3A_98 = tpu.memref_slice %arg11[%mul3A_2, %dma_wait3A_97] : memref<10000x8xf32, #tpu.memory_space<vmem_shared>> -> memref<624x8xf32, #tpu.memory_space<vmem_shared>>
      tpu.wait_dma2 semaphore(%run_scoped3A : memref<!tpu.dma_semaphore, #tpu.memory_space<semaphore_mem>>) src(%dma_wait3A_98 : memref<624x8xf32, #tpu.memory_space<vmem_shared>>) dst(%dma_wait3A_96 : memref<624x8xf32, #tpu.memory_space<hbm>>)
      tpu.yield
    }) : () -> ()
    "tpu.region"() ({
      %run_scoped3A = tpu.sem_alloc : memref<!tpu.dma_semaphore, #tpu.memory_space<semaphore_mem>>
      %dma_start3A = arith.constant 0 : i32
      %dma_start3A_91 = tpu.memref_slice %arg10[%arg0, %mul3A_2, %dma_start3A] : memref<2x10000x128xf32, #tpu.memory_space<hbm>> -> memref<1x624x128xf32, #tpu.memory_space<hbm>>
      %dma_start3A_92 = tpu.memref_squeeze %dma_start3A_91 : memref<1x624x128xf32, #tpu.memory_space<hbm>> -> memref<624x128xf32, #tpu.memory_space<hbm>>
      %dma_start3A_93 = arith.constant 0 : i32
      %dma_start3A_94 = tpu.memref_slice %arg12[%mul3A_2, %dma_start3A_93] : memref<10000x128xf32, #tpu.memory_space<vmem_shared>> -> memref<624x128xf32, #tpu.memory_space<vmem_shared>>
      tpu.enqueue_dma source(%dma_start3A_94 : memref<624x128xf32, #tpu.memory_space<vmem_shared>>) target(%dma_start3A_92 : memref<624x128xf32, #tpu.memory_space<hbm>>) target_semaphore(%run_scoped3A : memref<!tpu.dma_semaphore, #tpu.memory_space<semaphore_mem>>)
      %dma_wait3A = arith.constant 0 : i32
      %dma_wait3A_95 = tpu.memref_slice %arg10[%arg0, %mul3A_2, %dma_wait3A] : memref<2x10000x128xf32, #tpu.memory_space<hbm>> -> memref<1x624x128xf32, #tpu.memory_space<hbm>>
      %dma_wait3A_96 = tpu.memref_squeeze %dma_wait3A_95 : memref<1x624x128xf32, #tpu.memory_space<hbm>> -> memref<624x128xf32, #tpu.memory_space<hbm>>
      %dma_wait3A_97 = arith.constant 0 : i32
      %dma_wait3A_98 = tpu.memref_slice %arg12[%mul3A_2, %dma_wait3A_97] : memref<10000x128xf32, #tpu.memory_space<vmem_shared>> -> memref<624x128xf32, #tpu.memory_space<vmem_shared>>
      tpu.wait_dma2 semaphore(%run_scoped3A : memref<!tpu.dma_semaphore, #tpu.memory_space<semaphore_mem>>) src(%dma_wait3A_98 : memref<624x128xf32, #tpu.memory_space<vmem_shared>>) dst(%dma_wait3A_96 : memref<624x128xf32, #tpu.memory_space<hbm>>)
      tpu.yield
    }) : () -> ()
    %eq3A_86 = arith.constant 15 : i32
    %eq3A_87 = arith.cmpi eq, %arg1, %eq3A_86 : i32
    %convert_element_type3A_88 = arith.extui %eq3A_87 : i1 to i32
    %cond3A_89 = arith.constant 0 : i32
    %cond3A_90 = arith.cmpi ne, %convert_element_type3A_88, %cond3A_89 : i32
    scf.if %cond3A_90 {
      "tpu.region"() ({
        %run_scoped3A = tpu.sem_alloc : memref<!tpu.dma_semaphore, #tpu.memory_space<semaphore_mem>>
        %dma_start3A = arith.constant 9984 : i32
        %dma_start3A_91 = arith.constant 0 : i32
        %dma_start3A_92 = tpu.memref_slice %arg9[%arg0, %dma_start3A, %dma_start3A_91] : memref<2x10000x8xf32, #tpu.memory_space<hbm>> -> memref<1x16x8xf32, #tpu.memory_space<hbm>>
        %dma_start3A_93 = tpu.memref_squeeze %dma_start3A_92 : memref<1x16x8xf32, #tpu.memory_space<hbm>> -> memref<16x8xf32, #tpu.memory_space<hbm>>
        %dma_start3A_94 = arith.constant 9984 : i32
        %dma_start3A_95 = arith.constant 0 : i32
        %dma_start3A_96 = tpu.memref_slice %arg11[%dma_start3A_94, %dma_start3A_95] : memref<10000x8xf32, #tpu.memory_space<vmem_shared>> -> memref<16x8xf32, #tpu.memory_space<vmem_shared>>
        tpu.enqueue_dma source(%dma_start3A_96 : memref<16x8xf32, #tpu.memory_space<vmem_shared>>) target(%dma_start3A_93 : memref<16x8xf32, #tpu.memory_space<hbm>>) target_semaphore(%run_scoped3A : memref<!tpu.dma_semaphore, #tpu.memory_space<semaphore_mem>>)
        %dma_wait3A = arith.constant 9984 : i32
        %dma_wait3A_97 = arith.constant 0 : i32
        %dma_wait3A_98 = tpu.memref_slice %arg9[%arg0, %dma_wait3A, %dma_wait3A_97] : memref<2x10000x8xf32, #tpu.memory_space<hbm>> -> memref<1x16x8xf32, #tpu.memory_space<hbm>>
        %dma_wait3A_99 = tpu.memref_squeeze %dma_wait3A_98 : memref<1x16x8xf32, #tpu.memory_space<hbm>> -> memref<16x8xf32, #tpu.memory_space<hbm>>
        %dma_wait3A_100 = arith.constant 9984 : i32
        %dma_wait3A_101 = arith.constant 0 : i32
        %dma_wait3A_102 = tpu.memref_slice %arg11[%dma_wait3A_100, %dma_wait3A_101] : memref<10000x8xf32, #tpu.memory_space<vmem_shared>> -> memref<16x8xf32, #tpu.memory_space<vmem_shared>>
        tpu.wait_dma2 semaphore(%run_scoped3A : memref<!tpu.dma_semaphore, #tpu.memory_space<semaphore_mem>>) src(%dma_wait3A_102 : memref<16x8xf32, #tpu.memory_space<vmem_shared>>) dst(%dma_wait3A_99 : memref<16x8xf32, #tpu.memory_space<hbm>>)
        tpu.yield
      }) : () -> ()
      "tpu.region"() ({
        %run_scoped3A = tpu.sem_alloc : memref<!tpu.dma_semaphore, #tpu.memory_space<semaphore_mem>>
        %dma_start3A = arith.constant 9984 : i32
        %dma_start3A_91 = arith.constant 0 : i32
        %dma_start3A_92 = tpu.memref_slice %arg10[%arg0, %dma_start3A, %dma_start3A_91] : memref<2x10000x128xf32, #tpu.memory_space<hbm>> -> memref<1x16x128xf32, #tpu.memory_space<hbm>>
        %dma_start3A_93 = tpu.memref_squeeze %dma_start3A_92 : memref<1x16x128xf32, #tpu.memory_space<hbm>> -> memref<16x128xf32, #tpu.memory_space<hbm>>
        %dma_start3A_94 = arith.constant 9984 : i32
        %dma_start3A_95 = arith.constant 0 : i32
        %dma_start3A_96 = tpu.memref_slice %arg12[%dma_start3A_94, %dma_start3A_95] : memref<10000x128xf32, #tpu.memory_space<vmem_shared>> -> memref<16x128xf32, #tpu.memory_space<vmem_shared>>
        tpu.enqueue_dma source(%dma_start3A_96 : memref<16x128xf32, #tpu.memory_space<vmem_shared>>) target(%dma_start3A_93 : memref<16x128xf32, #tpu.memory_space<hbm>>) target_semaphore(%run_scoped3A : memref<!tpu.dma_semaphore, #tpu.memory_space<semaphore_mem>>)
        %dma_wait3A = arith.constant 9984 : i32
        %dma_wait3A_97 = arith.constant 0 : i32
        %dma_wait3A_98 = tpu.memref_slice %arg10[%arg0, %dma_wait3A, %dma_wait3A_97] : memref<2x10000x128xf32, #tpu.memory_space<hbm>> -> memref<1x16x128xf32, #tpu.memory_space<hbm>>
        %dma_wait3A_99 = tpu.memref_squeeze %dma_wait3A_98 : memref<1x16x128xf32, #tpu.memory_space<hbm>> -> memref<16x128xf32, #tpu.memory_space<hbm>>
        %dma_wait3A_100 = arith.constant 9984 : i32
        %dma_wait3A_101 = arith.constant 0 : i32
        %dma_wait3A_102 = tpu.memref_slice %arg12[%dma_wait3A_100, %dma_wait3A_101] : memref<10000x128xf32, #tpu.memory_space<vmem_shared>> -> memref<16x128xf32, #tpu.memory_space<vmem_shared>>
        tpu.wait_dma2 semaphore(%run_scoped3A : memref<!tpu.dma_semaphore, #tpu.memory_space<semaphore_mem>>) src(%dma_wait3A_102 : memref<16x128xf32, #tpu.memory_space<vmem_shared>>) dst(%dma_wait3A_99 : memref<16x128xf32, #tpu.memory_space<hbm>>)
        tpu.yield
      }) : () -> ()
    } else {
    }
    return
  }
}

module attributes {stable_mosaic.version = 14 : i64} {
  func.func @_tc1_body(%arg0: i32, %arg1: memref<2000x128xf32, #tpu.memory_space<vmem>>, %arg2: memref<128x64xf32, #tpu.memory_space<vmem>>, %arg3: memref<64x8xf32, #tpu.memory_space<vmem>>, %arg4: memref<64x8xf32, #tpu.memory_space<vmem>>, %arg5: memref<8x64xf32, #tpu.memory_space<vmem>>, %arg6: memref<2000x64xf32, #tpu.memory_space<vmem>>, %arg7: memref<2000x8xf32, #tpu.memory_space<vmem>>, %arg8: memref<2000x8xf32, #tpu.memory_space<vmem>>, %arg9: memref<2000x8xf32, #tpu.memory_space<vmem>>, %arg10: memref<2000x64xf32, #tpu.memory_space<vmem>>) attributes {dimension_semantics = [#tpu.dimension_semantics<arbitrary>], iteration_bounds = array<i64: 5>, scalar_prefetch = 0 : i64, scratch_operands = 0 : i64, tpu.core_type = #tpu.core_type<tc>, window_params = [{transform_indices = @transform_0, window_bounds = array<i64: 2000, 128>}, {pipeline_mode = #tpu.pipeline_mode<synchronous>, transform_indices = @transform_1, window_bounds = array<i64: 128, 64>}, {pipeline_mode = #tpu.pipeline_mode<synchronous>, transform_indices = @transform_2, window_bounds = array<i64: 64, 8>}, {pipeline_mode = #tpu.pipeline_mode<synchronous>, transform_indices = @transform_3, window_bounds = array<i64: 64, 8>}, {pipeline_mode = #tpu.pipeline_mode<synchronous>, transform_indices = @transform_4, window_bounds = array<i64: 8, 64>}, {transform_indices = @transform_5, window_bounds = array<i64: 2000, 64>}, {transform_indices = @transform_6, window_bounds = array<i64: 2000, 8>}, {transform_indices = @transform_7, window_bounds = array<i64: 2000, 8>}, {transform_indices = @transform_8, window_bounds = array<i64: 2000, 8>}, {transform_indices = @transform_9, window_bounds = array<i64: 2000, 64>}]} {
    %get3A = arith.constant 0 : index
    %get3A_0 = arith.constant 0 : index
    %get3A_1 = vector.load %arg1[%get3A, %get3A_0] : memref<2000x128xf32, #tpu.memory_space<vmem>>, vector<2000x128xf32>
    %get3A_2 = arith.constant 0 : index
    %get3A_3 = arith.constant 0 : index
    %get3A_4 = vector.load %arg2[%get3A_2, %get3A_3] : memref<128x64xf32, #tpu.memory_space<vmem>>, vector<128x64xf32>
    %dot_general3A = arith.constant dense<0.000000e+00> : vector<2000x64xf32>
    %dot_general3A_5 = tpu.matmul %get3A_1, %get3A_4, %dot_general3A {dimension_numbers = #tpu.dot_dimension_numbers<[1], [0], [0], [1], [0, 0, 1, 1], [], []>, transpose_lhs_hint = false} : vector<2000x128xf32>, vector<128x64xf32>, vector<2000x64xf32> -> vector<2000x64xf32>
    %get3A_6 = arith.constant 0 : index
    %get3A_7 = arith.constant 0 : index
    %get3A_8 = vector.load %arg3[%get3A_6, %get3A_7] : memref<64x8xf32, #tpu.memory_space<vmem>>, vector<64x8xf32>
    %dot_general3A_9 = arith.constant dense<0.000000e+00> : vector<2000x8xf32>
    %dot_general3A_10 = tpu.matmul %dot_general3A_5, %get3A_8, %dot_general3A_9 {dimension_numbers = #tpu.dot_dimension_numbers<[1], [0], [0], [1], [0, 0, 1, 1], [], []>, transpose_lhs_hint = false} : vector<2000x64xf32>, vector<64x8xf32>, vector<2000x8xf32> -> vector<2000x8xf32>
    %get3A_11 = arith.constant 0 : index
    %get3A_12 = arith.constant 0 : index
    %get3A_13 = vector.load %arg4[%get3A_11, %get3A_12] : memref<64x8xf32, #tpu.memory_space<vmem>>, vector<64x8xf32>
    %dot_general3A_14 = arith.constant dense<0.000000e+00> : vector<2000x8xf32>
    %dot_general3A_15 = tpu.matmul %dot_general3A_5, %get3A_13, %dot_general3A_14 {dimension_numbers = #tpu.dot_dimension_numbers<[1], [0], [0], [1], [0, 0, 1, 1], [], []>, transpose_lhs_hint = false} : vector<2000x64xf32>, vector<64x8xf32>, vector<2000x8xf32> -> vector<2000x8xf32>
    %add3A = arith.addf %dot_general3A_10, %dot_general3A_15 : vector<2000x8xf32>
    %ge3A = arith.constant 0.000000e+00 : f32
    %ge3A_16 = vector.broadcast %ge3A : f32 to vector<2000x8xf32>
    %ge3A_17 = arith.cmpf oge, %add3A, %ge3A_16 : vector<2000x8xf32>
    %mul3A = arith.constant 2.000000e-01 : f32
    %mul3A_18 = vector.broadcast %mul3A : f32 to vector<2000x8xf32>
    %mul3A_19 = arith.mulf %mul3A_18, %add3A : vector<2000x8xf32>
    %select_n3A = arith.select %ge3A_17, %add3A, %mul3A_19 : vector<2000x8xi1>, vector<2000x8xf32>
    %exp3A = math.exp %select_n3A : vector<2000x8xf32>
    %swap3A = arith.constant 0 : index
    %swap3A_20 = arith.constant 0 : index
    %swap3A_21 = vector.load %arg6[%swap3A, %swap3A_20] : memref<2000x64xf32, #tpu.memory_space<vmem>>, vector<2000x64xf32>
    tpu.vector_store %arg6[%swap3A, %swap3A_20], %dot_general3A_5 {strides = array<i32>} : memref<2000x64xf32, #tpu.memory_space<vmem>>, vector<2000x64xf32>,
    %swap3A_22 = arith.constant 0 : index
    %swap3A_23 = arith.constant 0 : index
    %swap3A_24 = vector.load %arg7[%swap3A_22, %swap3A_23] : memref<2000x8xf32, #tpu.memory_space<vmem>>, vector<2000x8xf32>
    tpu.vector_store %arg7[%swap3A_22, %swap3A_23], %dot_general3A_10 {strides = array<i32>} : memref<2000x8xf32, #tpu.memory_space<vmem>>, vector<2000x8xf32>,
    %swap3A_25 = arith.constant 0 : index
    %swap3A_26 = arith.constant 0 : index
    %swap3A_27 = vector.load %arg8[%swap3A_25, %swap3A_26] : memref<2000x8xf32, #tpu.memory_space<vmem>>, vector<2000x8xf32>
    tpu.vector_store %arg8[%swap3A_25, %swap3A_26], %dot_general3A_15 {strides = array<i32>} : memref<2000x8xf32, #tpu.memory_space<vmem>>, vector<2000x8xf32>,
    %mul3A_28 = arith.constant 5.000000e-01 : f32
    %mul3A_29 = vector.broadcast %mul3A_28 : f32 to vector<2000x8xf32>
    %mul3A_30 = arith.mulf %mul3A_29, %exp3A : vector<2000x8xf32>
    %swap3A_31 = arith.constant 0 : index
    %swap3A_32 = arith.constant 0 : index
    %swap3A_33 = vector.load %arg9[%swap3A_31, %swap3A_32] : memref<2000x8xf32, #tpu.memory_space<vmem>>, vector<2000x8xf32>
    tpu.vector_store %arg9[%swap3A_31, %swap3A_32], %mul3A_30 {strides = array<i32>} : memref<2000x8xf32, #tpu.memory_space<vmem>>, vector<2000x8xf32>,
    %get3A_34 = arith.constant 0 : index
    %get3A_35 = arith.constant 0 : index
    %get3A_36 = vector.load %arg5[%get3A_34, %get3A_35] : memref<8x64xf32, #tpu.memory_space<vmem>>, vector<8x64xf32>
    %dot_general3A_37 = arith.constant dense<0.000000e+00> : vector<2000x64xf32>
    %dot_general3A_38 = tpu.matmul %exp3A, %get3A_36, %dot_general3A_37 {dimension_numbers = #tpu.dot_dimension_numbers<[1], [0], [0], [1], [0, 0, 1, 1], [], []>, transpose_lhs_hint = false} : vector<2000x8xf32>, vector<8x64xf32>, vector<2000x64xf32> -> vector<2000x64xf32>
    %mul3A_39 = arith.mulf %dot_general3A_38, %dot_general3A_5 : vector<2000x64xf32>
    %mul3A_40 = arith.constant 5.000000e-01 : f32
    %mul3A_41 = vector.broadcast %mul3A_40 : f32 to vector<2000x64xf32>
    %mul3A_42 = arith.mulf %mul3A_41, %mul3A_39 : vector<2000x64xf32>
    %swap3A_43 = arith.constant 0 : index
    %swap3A_44 = arith.constant 0 : index
    %swap3A_45 = vector.load %arg10[%swap3A_43, %swap3A_44] : memref<2000x64xf32, #tpu.memory_space<vmem>>, vector<2000x64xf32>
    tpu.vector_store %arg10[%swap3A_43, %swap3A_44], %mul3A_42 {strides = array<i32>} : memref<2000x64xf32, #tpu.memory_space<vmem>>, vector<2000x64xf32>,
    return
  }
  func.func @transform_0(%arg0: i32) -> (i32, i32) {
    %c0_i32 = arith.constant 0 : i32
    %c0_i32_0 = arith.constant 0 : i32
    return %arg0, %c0_i32 : i32, i32
  }
  func.func @transform_1(%arg0: i32) -> (i32, i32) {
    %c0_i32 = arith.constant 0 : i32
    %c0_i32_0 = arith.constant 0 : i32
    %c0_i32_1 = arith.constant 0 : i32
    return %c0_i32, %c0_i32_0 : i32, i32
  }
  func.func @transform_2(%arg0: i32) -> (i32, i32) {
    %c0_i32 = arith.constant 0 : i32
    %c0_i32_0 = arith.constant 0 : i32
    %c0_i32_1 = arith.constant 0 : i32
    return %c0_i32, %c0_i32_0 : i32, i32
  }
  func.func @transform_3(%arg0: i32) -> (i32, i32) {
    %c0_i32 = arith.constant 0 : i32
    %c0_i32_0 = arith.constant 0 : i32
    %c0_i32_1 = arith.constant 0 : i32
    return %c0_i32, %c0_i32_0 : i32, i32
  }
  func.func @transform_4(%arg0: i32) -> (i32, i32) {
    %c0_i32 = arith.constant 0 : i32
    %c0_i32_0 = arith.constant 0 : i32
    %c0_i32_1 = arith.constant 0 : i32
    return %c0_i32, %c0_i32_0 : i32, i32
  }
  func.func @transform_5(%arg0: i32) -> (i32, i32) {
    %c0_i32 = arith.constant 0 : i32
    %c0_i32_0 = arith.constant 0 : i32
    return %arg0, %c0_i32 : i32, i32
  }
  func.func @transform_6(%arg0: i32) -> (i32, i32) {
    %c0_i32 = arith.constant 0 : i32
    %c0_i32_0 = arith.constant 0 : i32
    return %arg0, %c0_i32 : i32, i32
  }
  func.func @transform_7(%arg0: i32) -> (i32, i32) {
    %c0_i32 = arith.constant 0 : i32
    %c0_i32_0 = arith.constant 0 : i32
    return %arg0, %c0_i32 : i32, i32
  }
  func.func @transform_8(%arg0: i32) -> (i32, i32) {
    %c0_i32 = arith.constant 0 : i32
    %c0_i32_0 = arith.constant 0 : i32
    return %arg0, %c0_i32 : i32, i32
  }
  func.func @transform_9(%arg0: i32) -> (i32, i32) {
    %c0_i32 = arith.constant 0 : i32
    %c0_i32_0 = arith.constant 0 : i32
    return %arg0, %c0_i32 : i32, i32
  }
}

module attributes {stable_mosaic.version = 14 : i64} {
  func.func @_tc2_body(%arg0: i32, %arg1: memref<2x2000x8xf32, #tpu.memory_space<vmem>>, %arg2: memref<2x2000x64xf32, #tpu.memory_space<vmem>>, %arg3: memref<8x64xf32, #tpu.memory_space<vmem>>, %arg4: memref<64x128xf32, #tpu.memory_space<vmem>>, %arg5: memref<128x8xf32, #tpu.memory_space<vmem>>, %arg6: memref<128x8xf32, #tpu.memory_space<vmem>>, %arg7: memref<8x128xf32, #tpu.memory_space<vmem>>, %arg8: memref<2000x128xf32, #tpu.memory_space<vmem>>, %arg9: memref<2000x8xf32, #tpu.memory_space<vmem>>, %arg10: memref<2000x8xf32, #tpu.memory_space<vmem>>, %arg11: memref<2000x8xf32, #tpu.memory_space<vmem>>, %arg12: memref<2000x128xf32, #tpu.memory_space<vmem>>) attributes {dimension_semantics = [#tpu.dimension_semantics<arbitrary>], iteration_bounds = array<i64: 5>, scalar_prefetch = 0 : i64, scratch_operands = 0 : i64, tpu.core_type = #tpu.core_type<tc>, window_params = [{transform_indices = @transform_0, window_bounds = array<i64: 2, 2000, 8>}, {transform_indices = @transform_1, window_bounds = array<i64: 2, 2000, 64>}, {pipeline_mode = #tpu.pipeline_mode<synchronous>, transform_indices = @transform_2, window_bounds = array<i64: 8, 64>}, {pipeline_mode = #tpu.pipeline_mode<synchronous>, transform_indices = @transform_3, window_bounds = array<i64: 64, 128>}, {pipeline_mode = #tpu.pipeline_mode<synchronous>, transform_indices = @transform_4, window_bounds = array<i64: 128, 8>}, {pipeline_mode = #tpu.pipeline_mode<synchronous>, transform_indices = @transform_5, window_bounds = array<i64: 128, 8>}, {pipeline_mode = #tpu.pipeline_mode<synchronous>, transform_indices = @transform_6, window_bounds = array<i64: 8, 128>}, {transform_indices = @transform_7, window_bounds = array<i64: 2000, 128>}, {transform_indices = @transform_8, window_bounds = array<i64: 2000, 8>}, {transform_indices = @transform_9, window_bounds = array<i64: 2000, 8>}, {transform_indices = @transform_10, window_bounds = array<i64: 2000, 8>}, {transform_indices = @transform_11, window_bounds = array<i64: 2000, 128>}]} {
    %get3A = arith.constant 0 : index
    %get3A_0 = arith.constant 0 : index
    %get3A_1 = arith.constant 0 : index
    %get3A_2 = vector.load %arg1[%get3A, %get3A_0, %get3A_1] : memref<2x2000x8xf32, #tpu.memory_space<vmem>>, vector<2x2000x8xf32>
    %get3A_3 = arith.constant 0 : index
    %get3A_4 = arith.constant 0 : index
    %get3A_5 = arith.constant 0 : index
    %get3A_6 = vector.load %arg2[%get3A_3, %get3A_4, %get3A_5] : memref<2x2000x64xf32, #tpu.memory_space<vmem>>, vector<2x2000x64xf32>
    %slice3A = vector.extract_strided_slice %get3A_2 {offsets = [0, 0, 0], sizes = [1, 2000, 8], strides = [1, 1, 1]} : vector<2x2000x8xf32> to vector<1x2000x8xf32>
    %squeeze3A = vector.shape_cast %slice3A : vector<1x2000x8xf32> to vector<2000x8xf32>
    %slice3A_7 = vector.extract_strided_slice %get3A_2 {offsets = [1, 0, 0], sizes = [1, 2000, 8], strides = [1, 1, 1]} : vector<2x2000x8xf32> to vector<1x2000x8xf32>
    %squeeze3A_8 = vector.shape_cast %slice3A_7 : vector<1x2000x8xf32> to vector<2000x8xf32>
    %add3A = arith.addf %squeeze3A, %squeeze3A_8 : vector<2000x8xf32>
    %add3A_9 = arith.constant 1.000000e-16 : f32
    %add3A_10 = vector.broadcast %add3A_9 : f32 to vector<2000x8xf32>
    %add3A_11 = arith.addf %add3A, %add3A_10 : vector<2000x8xf32>
    %slice3A_12 = vector.extract_strided_slice %get3A_6 {offsets = [0, 0, 0], sizes = [1, 2000, 64], strides = [1, 1, 1]} : vector<2x2000x64xf32> to vector<1x2000x64xf32>
    %squeeze3A_13 = vector.shape_cast %slice3A_12 : vector<1x2000x64xf32> to vector<2000x64xf32>
    %slice3A_14 = vector.extract_strided_slice %get3A_6 {offsets = [1, 0, 0], sizes = [1, 2000, 64], strides = [1, 1, 1]} : vector<2x2000x64xf32> to vector<1x2000x64xf32>
    %squeeze3A_15 = vector.shape_cast %slice3A_14 : vector<1x2000x64xf32> to vector<2000x64xf32>
    %add3A_16 = arith.addf %squeeze3A_13, %squeeze3A_15 : vector<2000x64xf32>
    %get3A_17 = arith.constant 0 : index
    %get3A_18 = arith.constant 0 : index
    %get3A_19 = vector.load %arg3[%get3A_17, %get3A_18] : memref<8x64xf32, #tpu.memory_space<vmem>>, vector<8x64xf32>
    %dot_general3A = arith.constant dense<0.000000e+00> : vector<2000x64xf32>
    %dot_general3A_20 = tpu.matmul %add3A_11, %get3A_19, %dot_general3A {dimension_numbers = #tpu.dot_dimension_numbers<[1], [0], [0], [1], [0, 0, 1, 1], [], []>, transpose_lhs_hint = false} : vector<2000x8xf32>, vector<8x64xf32>, vector<2000x64xf32> -> vector<2000x64xf32>
    %div3A = arith.divf %add3A_16, %dot_general3A_20 : vector<2000x64xf32>
    %gt3A = arith.constant 0.000000e+00 : f32
    %gt3A_21 = vector.broadcast %gt3A : f32 to vector<2000x64xf32>
    %gt3A_22 = arith.cmpf ogt, %div3A, %gt3A_21 : vector<2000x64xf32>
    %exp3A = math.exp %div3A : vector<2000x64xf32>
    %sub3A = arith.constant 1.000000e+00 : f32
    %sub3A_23 = vector.broadcast %sub3A : f32 to vector<2000x64xf32>
    %sub3A_24 = arith.subf %exp3A, %sub3A_23 : vector<2000x64xf32>
    %select_n3A = arith.select %gt3A_22, %div3A, %sub3A_24 : vector<2000x64xi1>, vector<2000x64xf32>
    %get3A_25 = arith.constant 0 : index
    %get3A_26 = arith.constant 0 : index
    %get3A_27 = vector.load %arg4[%get3A_25, %get3A_26] : memref<64x128xf32, #tpu.memory_space<vmem>>, vector<64x128xf32>
    %dot_general3A_28 = arith.constant dense<0.000000e+00> : vector<2000x128xf32>
    %dot_general3A_29 = tpu.matmul %select_n3A, %get3A_27, %dot_general3A_28 {dimension_numbers = #tpu.dot_dimension_numbers<[1], [0], [0], [1], [0, 0, 1, 1], [], []>, transpose_lhs_hint = false} : vector<2000x64xf32>, vector<64x128xf32>, vector<2000x128xf32> -> vector<2000x128xf32>
    %get3A_30 = arith.constant 0 : index
    %get3A_31 = arith.constant 0 : index
    %get3A_32 = vector.load %arg5[%get3A_30, %get3A_31] : memref<128x8xf32, #tpu.memory_space<vmem>>, vector<128x8xf32>
    %dot_general3A_33 = arith.constant dense<0.000000e+00> : vector<2000x8xf32>
    %dot_general3A_34 = tpu.matmul %dot_general3A_29, %get3A_32, %dot_general3A_33 {dimension_numbers = #tpu.dot_dimension_numbers<[1], [0], [0], [1], [0, 0, 1, 1], [], []>, transpose_lhs_hint = false} : vector<2000x128xf32>, vector<128x8xf32>, vector<2000x8xf32> -> vector<2000x8xf32>
    %get3A_35 = arith.constant 0 : index
    %get3A_36 = arith.constant 0 : index
    %get3A_37 = vector.load %arg6[%get3A_35, %get3A_36] : memref<128x8xf32, #tpu.memory_space<vmem>>, vector<128x8xf32>
    %dot_general3A_38 = arith.constant dense<0.000000e+00> : vector<2000x8xf32>
    %dot_general3A_39 = tpu.matmul %dot_general3A_29, %get3A_37, %dot_general3A_38 {dimension_numbers = #tpu.dot_dimension_numbers<[1], [0], [0], [1], [0, 0, 1, 1], [], []>, transpose_lhs_hint = false} : vector<2000x128xf32>, vector<128x8xf32>, vector<2000x8xf32> -> vector<2000x8xf32>
    %add3A_40 = arith.addf %dot_general3A_34, %dot_general3A_39 : vector<2000x8xf32>
    %ge3A = arith.constant 0.000000e+00 : f32
    %ge3A_41 = vector.broadcast %ge3A : f32 to vector<2000x8xf32>
    %ge3A_42 = arith.cmpf oge, %add3A_40, %ge3A_41 : vector<2000x8xf32>
    %mul3A = arith.constant 2.000000e-01 : f32
    %mul3A_43 = vector.broadcast %mul3A : f32 to vector<2000x8xf32>
    %mul3A_44 = arith.mulf %mul3A_43, %add3A_40 : vector<2000x8xf32>
    %select_n3A_45 = arith.select %ge3A_42, %add3A_40, %mul3A_44 : vector<2000x8xi1>, vector<2000x8xf32>
    %exp3A_46 = math.exp %select_n3A_45 : vector<2000x8xf32>
    %swap3A = arith.constant 0 : index
    %swap3A_47 = arith.constant 0 : index
    %swap3A_48 = vector.load %arg8[%swap3A, %swap3A_47] : memref<2000x128xf32, #tpu.memory_space<vmem>>, vector<2000x128xf32>
    tpu.vector_store %arg8[%swap3A, %swap3A_47], %dot_general3A_29 {strides = array<i32>} : memref<2000x128xf32, #tpu.memory_space<vmem>>, vector<2000x128xf32>,
    %swap3A_49 = arith.constant 0 : index
    %swap3A_50 = arith.constant 0 : index
    %swap3A_51 = vector.load %arg9[%swap3A_49, %swap3A_50] : memref<2000x8xf32, #tpu.memory_space<vmem>>, vector<2000x8xf32>
    tpu.vector_store %arg9[%swap3A_49, %swap3A_50], %dot_general3A_34 {strides = array<i32>} : memref<2000x8xf32, #tpu.memory_space<vmem>>, vector<2000x8xf32>,
    %swap3A_52 = arith.constant 0 : index
    %swap3A_53 = arith.constant 0 : index
    %swap3A_54 = vector.load %arg10[%swap3A_52, %swap3A_53] : memref<2000x8xf32, #tpu.memory_space<vmem>>, vector<2000x8xf32>
    tpu.vector_store %arg10[%swap3A_52, %swap3A_53], %dot_general3A_39 {strides = array<i32>} : memref<2000x8xf32, #tpu.memory_space<vmem>>, vector<2000x8xf32>,
    %mul3A_55 = arith.constant 5.000000e-01 : f32
    %mul3A_56 = vector.broadcast %mul3A_55 : f32 to vector<2000x8xf32>
    %mul3A_57 = arith.mulf %mul3A_56, %exp3A_46 : vector<2000x8xf32>
    %swap3A_58 = arith.constant 0 : index
    %swap3A_59 = arith.constant 0 : index
    %swap3A_60 = vector.load %arg11[%swap3A_58, %swap3A_59] : memref<2000x8xf32, #tpu.memory_space<vmem>>, vector<2000x8xf32>
    tpu.vector_store %arg11[%swap3A_58, %swap3A_59], %mul3A_57 {strides = array<i32>} : memref<2000x8xf32, #tpu.memory_space<vmem>>, vector<2000x8xf32>,
    %get3A_61 = arith.constant 0 : index
    %get3A_62 = arith.constant 0 : index
    %get3A_63 = vector.load %arg7[%get3A_61, %get3A_62] : memref<8x128xf32, #tpu.memory_space<vmem>>, vector<8x128xf32>
    %dot_general3A_64 = arith.constant dense<0.000000e+00> : vector<2000x128xf32>
    %dot_general3A_65 = tpu.matmul %exp3A_46, %get3A_63, %dot_general3A_64 {dimension_numbers = #tpu.dot_dimension_numbers<[1], [0], [0], [1], [0, 0, 1, 1], [], []>, transpose_lhs_hint = false} : vector<2000x8xf32>, vector<8x128xf32>, vector<2000x128xf32> -> vector<2000x128xf32>
    %mul3A_66 = arith.mulf %dot_general3A_65, %dot_general3A_29 : vector<2000x128xf32>
    %mul3A_67 = arith.constant 5.000000e-01 : f32
    %mul3A_68 = vector.broadcast %mul3A_67 : f32 to vector<2000x128xf32>
    %mul3A_69 = arith.mulf %mul3A_68, %mul3A_66 : vector<2000x128xf32>
    %swap3A_70 = arith.constant 0 : index
    %swap3A_71 = arith.constant 0 : index
    %swap3A_72 = vector.load %arg12[%swap3A_70, %swap3A_71] : memref<2000x128xf32, #tpu.memory_space<vmem>>, vector<2000x128xf32>
    tpu.vector_store %arg12[%swap3A_70, %swap3A_71], %mul3A_69 {strides = array<i32>} : memref<2000x128xf32, #tpu.memory_space<vmem>>, vector<2000x128xf32>,
    return
  }
  func.func @transform_0(%arg0: i32) -> (i32, i32, i32) {
    %c0_i32 = arith.constant 0 : i32
    %c0_i32_0 = arith.constant 0 : i32
    %c0_i32_1 = arith.constant 0 : i32
    return %c0_i32, %arg0, %c0_i32_0 : i32, i32, i32
  }
  func.func @transform_1(%arg0: i32) -> (i32, i32, i32) {
    %c0_i32 = arith.constant 0 : i32
    %c0_i32_0 = arith.constant 0 : i32
    %c0_i32_1 = arith.constant 0 : i32
    return %c0_i32, %arg0, %c0_i32_0 : i32, i32, i32
  }
  func.func @transform_2(%arg0: i32) -> (i32, i32) {
    %c0_i32 = arith.constant 0 : i32
    %c0_i32_0 = arith.constant 0 : i32
    %c0_i32_1 = arith.constant 0 : i32
    return %c0_i32, %c0_i32_0 : i32, i32
  }
  func.func @transform_3(%arg0: i32) -> (i32, i32) {
    %c0_i32 = arith.constant 0 : i32
    %c0_i32_0 = arith.constant 0 : i32
    %c0_i32_1 = arith.constant 0 : i32
    return %c0_i32, %c0_i32_0 : i32, i32
  }
  func.func @transform_4(%arg0: i32) -> (i32, i32) {
    %c0_i32 = arith.constant 0 : i32
    %c0_i32_0 = arith.constant 0 : i32
    %c0_i32_1 = arith.constant 0 : i32
    return %c0_i32, %c0_i32_0 : i32, i32
  }
  func.func @transform_5(%arg0: i32) -> (i32, i32) {
    %c0_i32 = arith.constant 0 : i32
    %c0_i32_0 = arith.constant 0 : i32
    %c0_i32_1 = arith.constant 0 : i32
    return %c0_i32, %c0_i32_0 : i32, i32
  }
  func.func @transform_6(%arg0: i32) -> (i32, i32) {
    %c0_i32 = arith.constant 0 : i32
    %c0_i32_0 = arith.constant 0 : i32
    %c0_i32_1 = arith.constant 0 : i32
    return %c0_i32, %c0_i32_0 : i32, i32
  }
  func.func @transform_7(%arg0: i32) -> (i32, i32) {
    %c0_i32 = arith.constant 0 : i32
    %c0_i32_0 = arith.constant 0 : i32
    return %arg0, %c0_i32 : i32, i32
  }
  func.func @transform_8(%arg0: i32) -> (i32, i32) {
    %c0_i32 = arith.constant 0 : i32
    %c0_i32_0 = arith.constant 0 : i32
    return %arg0, %c0_i32 : i32, i32
  }
  func.func @transform_9(%arg0: i32) -> (i32, i32) {
    %c0_i32 = arith.constant 0 : i32
    %c0_i32_0 = arith.constant 0 : i32
    return %arg0, %c0_i32 : i32, i32
  }
  func.func @transform_10(%arg0: i32) -> (i32, i32) {
    %c0_i32 = arith.constant 0 : i32
    %c0_i32_0 = arith.constant 0 : i32
    return %arg0, %c0_i32 : i32, i32
  }
  func.func @transform_11(%arg0: i32) -> (i32, i32) {
    %c0_i32 = arith.constant 0 : i32
    %c0_i32_0 = arith.constant 0 : i32
    return %arg0, %c0_i32 : i32, i32
  }
}

module attributes {stable_mosaic.version = 14 : i64} {
  func.func @_tc3_body(%arg0: i32, %arg1: memref<2x2000x8xf32, #tpu.memory_space<vmem>>, %arg2: memref<2x2000x128xf32, #tpu.memory_space<vmem>>, %arg3: memref<8x128xf32, #tpu.memory_space<vmem>>, %arg4: memref<2000x128xf32, #tpu.memory_space<vmem>>) attributes {dimension_semantics = [#tpu.dimension_semantics<arbitrary>], iteration_bounds = array<i64: 5>, scalar_prefetch = 0 : i64, scratch_operands = 0 : i64, tpu.core_type = #tpu.core_type<tc>, window_params = [{transform_indices = @transform_0, window_bounds = array<i64: 2, 2000, 8>}, {transform_indices = @transform_1, window_bounds = array<i64: 2, 2000, 128>}, {pipeline_mode = #tpu.pipeline_mode<synchronous>, transform_indices = @transform_2, window_bounds = array<i64: 8, 128>}, {transform_indices = @transform_3, window_bounds = array<i64: 2000, 128>}]} {
    %get3A = arith.constant 0 : index
    %get3A_0 = arith.constant 0 : index
    %get3A_1 = arith.constant 0 : index
    %get3A_2 = vector.load %arg1[%get3A, %get3A_0, %get3A_1] : memref<2x2000x8xf32, #tpu.memory_space<vmem>>, vector<2x2000x8xf32>
    %get3A_3 = arith.constant 0 : index
    %get3A_4 = arith.constant 0 : index
    %get3A_5 = arith.constant 0 : index
    %get3A_6 = vector.load %arg2[%get3A_3, %get3A_4, %get3A_5] : memref<2x2000x128xf32, #tpu.memory_space<vmem>>, vector<2x2000x128xf32>
    %slice3A = vector.extract_strided_slice %get3A_2 {offsets = [0, 0, 0], sizes = [1, 2000, 8], strides = [1, 1, 1]} : vector<2x2000x8xf32> to vector<1x2000x8xf32>
    %squeeze3A = vector.shape_cast %slice3A : vector<1x2000x8xf32> to vector<2000x8xf32>
    %slice3A_7 = vector.extract_strided_slice %get3A_2 {offsets = [1, 0, 0], sizes = [1, 2000, 8], strides = [1, 1, 1]} : vector<2x2000x8xf32> to vector<1x2000x8xf32>
    %squeeze3A_8 = vector.shape_cast %slice3A_7 : vector<1x2000x8xf32> to vector<2000x8xf32>
    %add3A = arith.addf %squeeze3A, %squeeze3A_8 : vector<2000x8xf32>
    %add3A_9 = arith.constant 1.000000e-16 : f32
    %add3A_10 = vector.broadcast %add3A_9 : f32 to vector<2000x8xf32>
    %add3A_11 = arith.addf %add3A, %add3A_10 : vector<2000x8xf32>
    %slice3A_12 = vector.extract_strided_slice %get3A_6 {offsets = [0, 0, 0], sizes = [1, 2000, 128], strides = [1, 1, 1]} : vector<2x2000x128xf32> to vector<1x2000x128xf32>
    %squeeze3A_13 = vector.shape_cast %slice3A_12 : vector<1x2000x128xf32> to vector<2000x128xf32>
    %slice3A_14 = vector.extract_strided_slice %get3A_6 {offsets = [1, 0, 0], sizes = [1, 2000, 128], strides = [1, 1, 1]} : vector<2x2000x128xf32> to vector<1x2000x128xf32>
    %squeeze3A_15 = vector.shape_cast %slice3A_14 : vector<1x2000x128xf32> to vector<2000x128xf32>
    %add3A_16 = arith.addf %squeeze3A_13, %squeeze3A_15 : vector<2000x128xf32>
    %get3A_17 = arith.constant 0 : index
    %get3A_18 = arith.constant 0 : index
    %get3A_19 = vector.load %arg3[%get3A_17, %get3A_18] : memref<8x128xf32, #tpu.memory_space<vmem>>, vector<8x128xf32>
    %dot_general3A = arith.constant dense<0.000000e+00> : vector<2000x128xf32>
    %dot_general3A_20 = tpu.matmul %add3A_11, %get3A_19, %dot_general3A {dimension_numbers = #tpu.dot_dimension_numbers<[1], [0], [0], [1], [0, 0, 1, 1], [], []>, transpose_lhs_hint = false} : vector<2000x8xf32>, vector<8x128xf32>, vector<2000x128xf32> -> vector<2000x128xf32>
    %div3A = arith.divf %add3A_16, %dot_general3A_20 : vector<2000x128xf32>
    %reduce_max3A = arith.constant dense<0xFF800000> : vector<2000xf32>
    %reduce_max3A_21 = vector.multi_reduction <maximumf>, %div3A, %reduce_max3A [1] : vector<2000x128xf32> to vector<2000xf32>
    %broadcast_in_dim3A = vector.shape_cast %reduce_max3A_21 : vector<2000xf32> to vector<2000x1xf32>
    %sub3A = vector.broadcast %broadcast_in_dim3A : vector<2000x1xf32> to vector<2000x128xf32>
    %sub3A_22 = arith.subf %div3A, %sub3A : vector<2000x128xf32>
    %exp3A = math.exp %sub3A_22 : vector<2000x128xf32>
    %reduce_sum3A = arith.constant dense<0.000000e+00> : vector<2000xf32>
    %reduce_sum3A_23 = vector.multi_reduction <add>, %exp3A, %reduce_sum3A [1] : vector<2000x128xf32> to vector<2000xf32>
    %broadcast_in_dim3A_24 = vector.shape_cast %reduce_sum3A_23 : vector<2000xf32> to vector<2000x1xf32>
    %log3A = math.log %broadcast_in_dim3A_24 : vector<2000x1xf32>
    %sub3A_25 = vector.broadcast %log3A : vector<2000x1xf32> to vector<2000x128xf32>
    %sub3A_26 = arith.subf %sub3A_22, %sub3A_25 : vector<2000x128xf32>
    %swap3A = arith.constant 0 : index
    %swap3A_27 = arith.constant 0 : index
    %swap3A_28 = vector.load %arg4[%swap3A, %swap3A_27] : memref<2000x128xf32, #tpu.memory_space<vmem>>, vector<2000x128xf32>
    tpu.vector_store %arg4[%swap3A, %swap3A_27], %sub3A_26 {strides = array<i32>} : memref<2000x128xf32, #tpu.memory_space<vmem>>, vector<2000x128xf32>,
    return
  }
  func.func @transform_0(%arg0: i32) -> (i32, i32, i32) {
    %c0_i32 = arith.constant 0 : i32
    %c0_i32_0 = arith.constant 0 : i32
    %c0_i32_1 = arith.constant 0 : i32
    return %c0_i32, %arg0, %c0_i32_0 : i32, i32, i32
  }
  func.func @transform_1(%arg0: i32) -> (i32, i32, i32) {
    %c0_i32 = arith.constant 0 : i32
    %c0_i32_0 = arith.constant 0 : i32
    %c0_i32_1 = arith.constant 0 : i32
    return %c0_i32, %arg0, %c0_i32_0 : i32, i32, i32
  }
  func.func @transform_2(%arg0: i32) -> (i32, i32) {
    %c0_i32 = arith.constant 0 : i32
    %c0_i32_0 = arith.constant 0 : i32
    %c0_i32_1 = arith.constant 0 : i32
    return %c0_i32, %c0_i32_0 : i32, i32
  }
  func.func @transform_3(%arg0: i32) -> (i32, i32) {
    %c0_i32 = arith.constant 0 : i32
    %c0_i32_0 = arith.constant 0 : i32
    return %arg0, %c0_i32 : i32, i32
  }
}

</mosaic_0001>

<sc_bundles>
// kernel: kernel.10.cloned.1.call-start
scs
__scs_entry_jumppad:
0x0: {  	(pc) =	sbr.rel $0x88, $3  }
0x1: {  	(tag) =	ssettag $0x0;
	lr =	simm.s32 $0x1  }
0x2: {  	[smem:$0x3F99] =	sst lr;
	_ =	strace $0xD0000000  }
0x3: {  	_ = 	snop  }
0x4: {  	_ = 	snop  }
0x5: {  	_ = 	snop  }
0x6: {  	_ = 	snop  }
0x7: {  	_ = 	snop  }
__scs_overlays_trampoline_lowered:
0x8: {  	[smem:$0x3FA8] =	sst s0  }
0x9: {  	[smem:$0x3FA9] =	sst s1  }
0xa: {  	[smem:$0x3FAA] =	sst s2  }
0xb: {  	[smem:$0x3FAB] =	sst s3  }
0xc: {  	[smem:$0x3FAC] =	sst s4  }
0xd: {  	[smem:$0x3FAD] =	sst s5  }
0xe: {  	[smem:$0x3FAE] =	sst s6  }
0xf: {  	[smem:$0x3FAF] =	sst s7  }
0x10: {  	[smem:$0x3FB0] =	sst s8  }
0x11: {  	[smem:$0x3FB1] =	sst s9;
	s0 =	simm.s32 @!p0 $0x0  }
0x12: {  	s1 =	sld [smem:$0x3F97];
	s0 =	simm.s32 @p0 $0x1  }
0x13: {  	[smem:$0x3FB2] =	sst s0;
	s0 =	simm.s32 @!p1 $0x0  }
0x14: {  	s2 =	sld [smem:$0x3F96];
	s0 =	simm.s32 @p1 $0x1  }
0x15: {  	[smem:$0x3FB3] =	sst s0;
	s0 =	simm.s32 @!p2 $0x0  }
0x16: {  	s3 =	sld [smem:$0x3FDB];
	s0 =	simm.s32 @p2 $0x1  }
0x17: {  	s4 =	simm.s32 $0x1BF5;
	[smem:$0x3FB5] =	sst s0  }
0x18: {  	s0 =	sld [smem:$0x3F98];
	_ =	swait.ge [sflag:s4], $0x0  }
0x19: {  	s7 =	sld [smem:$0x3F99]  }
0x1a: {  	s8 =	sadd.s32 $0xFFFFE003, lr  }
0x1b: {  	s9 =	sadd.s32 $0xFFFFFEF7, lr;
	s5 =	simm.s32 $0xFFFFFFFF;
	p2 =	slt.u32 s8, $0xFFFFF086  }
0x1c: {  	p1 =	slt.u32 s9, $0xF7A;
	s5 =	simm.s32 @!p2 $0x0  }
0x1d: {  	s5 =	simm.s32 @p1 $0x1;
	p0 =	seq.s32 s7, s2  }
0x1e: {  	s7 =	smul.u32 @!p0 $0xF7A, s2;
	p2 =	seq.s32 @!p0 s5, $0x0  }
0x1f: {  	s9 =	smul.u32 $0xF7A, s1;
	s8 =	simm.s32 @!p0 $0x1BF5;
	p2 =	por !p2, p0  }
0x20: {  	[sflag:s8] =	ssyncset.s32 @!p0 $0xFFFFF086;
	s6 =	sadd.s32 @!p0 s3, s7;
	s7 =	simm.s32 @!p0 $0x108  }
0x21: {  	s3 =	sadd.s32 s3, s9;
	s6 =	sadd.s32 @!p0 $0x88, s6;
	s7 =	simm.s32 @p2 $0x1082  }
0x22: {  	[simem:s7], [sflag:s8] =	dma.local @!p0 [hbm:s6], $0xF7A  }
0x23: {  	s9 =	sor.u32 $0xD0000000, s2;
	s6 =	simm.s32 $0x108;
	_ =	swait.ge @!p0 [sflag:s8], $0x0  }
0x24: {  	s3 =	sadd.s32 $0x88, s3;
	s6 =	simm.s32 @!p1 $0x1082;
	[sflag:s4] =	ssyncset.s32 $0xFFFFF086  }
0x25: {  	[simem:s6], [sflag:s4] =	dma.local [hbm:s3], $0xF7A  }
0x26: {  	[smem:$0x3F99] =	sst s1;
	(tag) =	ssettag s2;
	_ =	strace s9  }
0x27: {  	s1 =	sld [smem:$0x3FA9]  }
0x28: {  	s2 =	sld [smem:$0x3FAA]  }
0x29: {  	s4 =	sld [smem:$0x3FAC]  }
0x2a: {  	p0 =	seq.s32 s5, $0x0;
	s5 =	sld [smem:$0x3FAD]  }
0x2b: {  	s6 =	sld [smem:$0x3FAE]  }
0x2c: {  	s7 =	sld [smem:$0x3FAF]  }
0x2d: {  	s3 =	simm.s32 $0x108;
	s8 =	sld [smem:$0x3FB0]  }
0x2e: {  	s3 =	simm.s32 @!p0 $0x1082;
	s9 =	sld [smem:$0x3FB1]  }
0x2f: {  	lr =	sadd.s32 s0, s3;
	s0 =	sld [smem:$0x3FA8]  }
0x30: {  	s3 =	sld [smem:$0x3FAB]  }
0x31: {  	[smem:$0x3FB4] =	sst s10  }
0x32: {  	s10 =	sld [smem:$0x3FB2];
	_ =	sdelay $0x3  }
0x33: {  	p0 =	seq.s32 s10, $0x1;
	s10 =	sld [smem:$0x3FB4];
	_ =	sdelay $0x3  }
0x34: {  	[smem:$0x3FB4] =	sst s10  }
0x35: {  	s10 =	sld [smem:$0x3FB3];
	_ =	sdelay $0x3  }
0x36: {  	p1 =	seq.s32 s10, $0x1;
	s10 =	sld [smem:$0x3FB4];
	_ =	sdelay $0x3  }
0x37: {  	[smem:$0x3FB4] =	sst s10  }
0x38: {  	s10 =	sld [smem:$0x3FB5]  }
0x39: {  	_ = 	snop;
	(pc) =	sbr.ind lr, $3  }
0x3a: {  	_ = 	snop  }
0x3b: {  	_ = 	snop  }
0x3c: {  	p2 =	seq.s32 s10, $0x1;
	s10 =	sld [smem:$0x3FB4]  }
0x3d: {  	_ =	shalt  }
0x3e: {  	_ =	shalt  }
0x3f: {  	_ =	shalt  }
0x40: {  	_ =	shalt  }
0x41: {  	_ =	shalt  }
0x42: {  	_ =	shalt  }
0x43: {  	_ =	shalt  }
0x44: {  	_ =	shalt  }
0x45: {  	_ =	shalt  }
0x46: {  	_ =	shalt  }
0x47: {  	_ =	shalt  }
0x48: {  	_ =	shalt  }
0x49: {  	_ =	shalt  }
0x4a: {  	_ =	shalt  }
0x4b: {  	_ =	shalt  }
0x4c: {  	_ =	shalt  }
0x4d: {  	_ =	shalt  }
0x4e: {  	_ =	shalt  }
0x4f: {  	_ =	shalt  }
0x50: {  	_ =	shalt  }
0x51: {  	_ =	shalt  }
0x52: {  	_ =	shalt  }
0x53: {  	_ =	shalt  }
0x54: {  	_ =	shalt  }
0x55: {  	_ =	shalt  }
0x56: {  	_ =	shalt  }
0x57: {  	_ =	shalt  }
0x58: {  	_ =	shalt  }
0x59: {  	_ =	shalt  }
0x5a: {  	_ =	shalt  }
0x5b: {  	_ =	shalt  }
0x5c: {  	_ =	shalt  }
0x5d: {  	_ =	shalt  }
0x5e: {  	_ =	shalt  }
0x5f: {  	_ =	shalt  }
0x60: {  	_ =	shalt  }
0x61: {  	_ =	shalt  }
0x62: {  	_ =	shalt  }
0x63: {  	_ =	shalt  }
0x64: {  	_ =	shalt  }
0x65: {  	_ =	shalt  }
0x66: {  	_ =	shalt  }
0x67: {  	_ =	shalt  }
0x68: {  	_ =	shalt  }
0x69: {  	_ =	shalt  }
0x6a: {  	_ =	shalt  }
0x6b: {  	_ =	shalt  }
0x6c: {  	_ =	shalt  }
0x6d: {  	_ =	shalt  }
0x6e: {  	_ =	shalt  }
0x6f: {  	_ =	shalt  }
0x70: {  	_ =	shalt  }
0x71: {  	_ =	shalt  }
0x72: {  	_ =	shalt  }
0x73: {  	_ =	shalt  }
0x74: {  	_ =	shalt  }
0x75: {  	_ =	shalt  }
0x76: {  	_ =	shalt  }
0x77: {  	_ =	shalt  }
0x78: {  	_ =	shalt  }
0x79: {  	_ =	shalt  }
0x7a: {  	_ =	shalt  }
0x7b: {  	_ =	shalt  }
0x7c: {  	_ =	shalt  }
0x7d: {  	_ =	shalt  }
0x7e: {  	_ =	shalt  }
0x7f: {  	_ =	shalt  }
0x80: {  	_ =	shalt  }
0x81: {  	_ =	shalt  }
0x82: {  	_ =	shalt  }
0x83: {  	_ =	shalt  }
0x84: {  	_ =	shalt  }
0x85: {  	_ =	shalt  }
0x86: {  	_ =	shalt  }
0x87: {  	_ =	shalt  }
.Lfunc_end0:
.L_simem_size_0:
called_computation.1_lowered:
.L_overlay_start_0:
0x88: {  	s2 =	sld [smem:$0x3FD9]  }
0x89: {  	s3 =	sld [smem:$0x3FFE];
	_ =	sdelay $0x1  }
0x8a: {  	s1 =	srdreg.scid  }
0x8b: {  	s0 =	sand.u32 $0x1, s1  }
0x8c: {  	s17 =	sshll.u32 s0, $0xA;
	s2 =	sadd.s32 s3, s2  }
0x8d: {  	s2 =	sadd.s32 s2, s17  }
0x8e: {  	[smem:$0x3FC0] =	sst s2  }
0x8f: {  	_ = 	snop  }
0x90: {  	s2 =	sld [smem:$0x3FD0];
	(tm) =	ssettm $0x1  }
0x91: {  	s18 =	sld [smem:$0x3FFB];
	_ =	sdelay $0x3  }
0x92: {  	_ =	strace s18  }
0x93: {  	s3 =	sld [smem:$0x3FFC];
	_ =	sdelay $0x3  }
0x94: {  	_ =	strace s3  }
0x95: {  	s3 =	sld [smem:$0x3FFD];
	_ =	sdelay $0x3  }
0x96: {  	_ =	strace s3  }
0x97: {  	_ =	strace $0x8FFFFFFF  }
0x98: {  	s19 =	sld [smem:$0x3FDB];
	_ =	sdelay $0x1  }
0x99: {  	s4 =	simm.s32 $_scs_section_size  }
0x9a: {  	s5 =	simm.s32 $_size__tile_overlayer_lowered;
	s6 =	simm.s32 $_tile_overlayer_lowered  }
0x9b: {  	s22 =	simm.s32 $0x1BFF;
	s21 =	sshll.u32 s6, $0x1;
	s3 =	sadd.s32 s4, s19  }
0x9c: {  	s7 =	simm.s32 $0x0;
	s20 =	sshll.u32 s5, $0x1;
	s5 =	sadd.s32 s21, s3  }
0x9d: {  	[timem:s7], [sflag:s22] =	dma.local [hbm:s5], s20  }
0x9e: {  	_ =	swait.ge [sflag:s22], s20  }
0x9f: {  	s4 =	ssub.s32 $0x0, s20;
	[sflag:s22] =	ssyncset.done $0x0  }
0xa0: {  	[sflag:s22] =	ssyncadd.s32 s4;
	_ =	sdelay $0x1  }
0xa1: {  	s23 =	simm.s32 $0x1B8B  }
0xa2: {  	_ =	swait.ge [sflag:s23], $0x1  }
0xa3: {  	[sflag:s23] =	ssyncset.done $0x0  }
0xa4: {  	s25 =	simm.s32 $0x1B8E;
	s24 =	sld [smem:$0x3FFE];
	[sflag:s23] =	ssyncadd.s32 $0xFFFFFFFF  }
0xa5: {  	s26 =	simm.s32 $execute0_lowered;
	[smem:$0x3FD2] =	sst s25  }
0xa6: {  	s5 =	sshll.u32 s26, $0x1;
	_ =	strace $0x80000049;
	[dreg:$0x1] =	wrdreg $0xFFFFFFFF  }
0xa7: {  	s28 =	simm.s32 $_size_execute0_lowered;
	s3 =	sadd.s32 s3, s5;
	[dreg:$0x0] =	wrdreg $0x0  }
0xa8: {  	s5 =	sshll.u32 s28, $0x1;
	[dreg:$0x2] =	wrdreg s3  }
0xa9: {  	[dreg:$0x3] =	wrdreg s5  }
0xaa: {  	[dreg:$0x4] =	wrdreg $0xC0  }
0xab: {  	_ =	task [dreg:s7], $0x5FFFF  }
0xac: {  	[dreg:$0x1] =	wrdreg $0xFFFFFFFF  }
0xad: {  	[dreg:$0x0] =	wrdreg $0x60  }
0xae: {  	[dreg:$0x2] =	wrdreg s24  }
0xaf: {  	[dreg:$0x3] =	wrdreg s2  }
0xb0: {  	[dreg:$0x4] =	wrdreg $0x0  }
0xb1: {  	[dreg:$0x5] =	wrdreg $0x13880  }
0xb2: {  	[dreg:$0x6] =	wrdreg $0x9  }
0xb3: {  	_ =	task.clear_ibuf [dreg:s7], $0x7FFFF;
	_ =	strace $0x90000049  }
0xb4: {  	s29 =	simm.s32 $0x9;
	_ =	strace $0x8000004B  }
0xb5: {  	_ =	swait.ge [sflag:s29], $0x1  }
0xb6: {  	[sflag:s29] =	ssyncadd.s32 $0xFFFFFFFF  }
0xb7: {  	_ =	strace $0x9000004B  }
0xb8: {  	_ =	sfence  }
0xb9: {  	s30 =	sld [smem:$0x0];
	_ =	sdelay $0x2  }
0xba: {  	s31 =	sshll.u32 s1, $0xD;
	s1 =	sshrl.u32 s1, $0x2  }
0xbb: {  	s3 =	sand.u32 $0x4000, s31;
	s1 =	sadd.s32 s1, s30  }
0xbc: {  	s0 =	sor.u32 s3, s0;
	s1 =	sshll.u32 s1, $0x11  }
0xbd: {  	s0 =	sor.u32 s1, s0  }
0xbe: {  	s0 =	sadd.s32 $0x8F2B, s0  }
0xbf: {  	[sflag:s0] =	ssyncadd.remote.s32 $0x1  }
0xc0: {  	_ =	sfence.sel $0xFFFF  }
0xc1: {  	[dreg:$0x0] =	wrdreg $0xFFFFFFFF;
	(pc) =	sbr.abs _section_cstart, $3  }
0xc2: {  	[dreg:$0x1] =	wrdreg $0xFFFFFFFF  }
0xc3: {  	_ =	task.clear_ibuf [dreg:s7], $0x2FFFF;
	_ =	strace $0x9FFFFFFF  }
0xc4: {  	(tm) =	ssettm $0x7FFFFFFF  }
0xc5: {  	_ =	shalt  }
tec
execute0_lowered:
.L_overlay_start_1:
0x0: {  	(tag) =	ssettag $0x1  }
0x1: {  	s14 =	rddreg [dreg:$0x0]  }
0x2: {  	s11 =	rddreg [dreg:$0x1]  }
0x3: {  	s8 =	rddreg [dreg:$0x2]  }
0x4: {  	s0 =	stileid.u32;
	s12 =	rddreg [dreg:$0x3]  }
0x5: {  	s1 =	rddreg [dreg:$0x4];
	s2 =	simm.s32 $0x0;
	s13 =	smul.u32 $0x1380, s0  }
0x6: {  	s5 =	simm.s32 $0x1;
	[smem:$0x7FF] =	sst s2  }
0x7: {  	s3 =	sshll.u32 s0, $0x6;
	s15 =	smul.u32 $0x13800, s0;
	s25 =	sshrl.u32 s13, $0x3  }
0x8: {  	_ =	strace $0x8000004A;
	s4 =	sadd.s32 s13, s8;
	s2 =	sadd.s32 s25, s14  }
0x9: {  	s3 =	sor.u32 $0x1C01, s3;
	s4 =	sshrl.u32 s4, $0x3;
	s2 =	sadd.s32 $0x42C00, s2  }
0xa: {  	[spmem:s4], [sflag:s3] =	dma.local [hbm:s2], $0x270  }
0xb: {  	_ =	swait.ge [sflag:s5], $0x270  }
0xc: {  	s7 =	sadd.s32 s15, s12;
	s6 =	sshrl.u32 s15, $0x3;
	[sflag:s5] =	ssyncset.done $0x0  }
0xd: {  	s6 =	sadd.s32 s11, s6;
	s7 =	sshrl.u32 s7, $0x3;
	[sflag:s5] =	ssyncadd.s32 $0xFFFFFD90  }
0xe: {  	[spmem:s7], [sflag:s3] =	dma.local [hbm:s6], $0x2700  }
0xf: {  	s9 =	sadd.s32 $0x13800, s8;
	p0 =	sne.s32 s0, $0xF;
	_ =	swait.ge [sflag:s5], $0x2700  }
0x10: {  	s10 =	sshrl.u32 @!p0 s9, $0x3;
	[sflag:s5] =	ssyncset.done $0x0  }
0x11: {  	s9 =	simm.s32 @!p0 $0x1;
	s8 =	sadd.s32 $0x45300, s14;
	[sflag:s5] =	ssyncadd.s32 $0xFFFFD900  }
0x12: {  	[spmem:s10], [sflag:s3] =	dma.local @!p0 [hbm:s8], $0x10  }
0x13: {  	s16 =	srdreg.scid;
	_ =	swait.ge @!p0 [sflag:s9], $0x10  }
0x14: {  	s16 =	sand.u32 $0x1, s16;
	s12 =	sadd.s32 $0x138000, s12;
	[sflag:s9] =	ssyncset.done @!p0 $0x0  }
0x15: {  	s11 =	sadd.s32 $0x27000, s11;
	s12 =	sshrl.u32 @!p0 s12, $0x3;
	[sflag:s9] =	ssyncadd.s32 @!p0 $0xFFFFFFF0  }
0x16: {  	[spmem:s12], [sflag:s3] =	dma.local @!p0 [hbm:s11], $0x100  }
0x17: {  	s17 =	smul.u32 $0x13880, s16;
	_ =	swait.ge @!p0 [sflag:s9], $0x100  }
0x18: {  	s18 =	sadd.s32 $0x45400, s14;
	s20 =	sadd.s32 $0x4A400, s14;
	[sflag:s9] =	ssyncset.done @!p0 $0x0  }
0x19: {  	s19 =	smul.u32 $0x138800, s16;
	s13 =	sadd.s32 s13, s17;
	[sflag:s9] =	ssyncadd.s32 @!p0 $0xFFFFFF00  }
0x1a: {  	s16 =	ssub.s32 $0x2, s16;
	s13 =	sshrl.u32 s13, $0x3;
	[bflag:$0x0] =	sbarrier.arrive $0xFFFF  }
0x1b: {  	s29 =	sshrl.u32 s16, $0x1;
	s13 =	sadd.s32 s18, s13;
	[bflag:$0x0] =	sbarrier.arrive $0xFFFF  }
0x1c: {  	[hbm:s13], [sflag:s3] =	dma.local [spmem:s4], $0x270  }
0x1d: {  	s15 =	sadd.s32 s15, s19;
	s28 =	sshrl.u32 s17, $0x3;
	_ =	swait.ge [sflag:s5], $0x270  }
0x1e: {  	s16 =	ssub.s32 s16, s29;
	s26 =	sshrl.u32 s15, $0x3;
	[sflag:s5] =	ssyncset.done $0x0  }
0x1f: {  	s30 =	sshrl.u32 s19, $0x3;
	s14 =	sadd.s32 s20, s26;
	[sflag:s5] =	ssyncadd.s32 $0xFFFFFD90  }
0x20: {  	[hbm:s14], [sflag:s3] =	dma.local [spmem:s7], $0x2700  }
0x21: {  	s15 =	sadd.s32 s18, s28;
	s17 =	sadd.s32 s20, s30;
	_ =	swait.ge [sflag:s5], $0x2700  }
0x22: {  	s31 =	smax.u32 s16, $0x1;
	s15 =	sadd.s32 $0x2700, s15;
	[sflag:s5] =	ssyncset.done $0x0  }
0x23: {  	s16 =	sadd.s32 $0x27000, s17;
	s17 =	sadd.s32 $0xFFFFFFFF, s31;
	[sflag:s5] =	ssyncadd.s32 $0xFFFFD900  }
0x24: {  	[hbm:s15], [sflag:s3] =	dma.local @!p0 [spmem:s10], $0x10  }
0x25: {  	p1 =	sne.s32 s17, $0x0;
	_ =	swait.ge @!p0 [sflag:s9], $0x10  }
.Ltmp0:
0x26: {  	[sflag:s9] =	ssyncset.done @!p0 $0x0;
	(pc) =	sbr.rel @!p1 .LBB2_2-.Ltmp0, $4  }
0x27: {  	[sflag:s9] =	ssyncadd.s32 @!p0 $0xFFFFFFF0  }
0x28: {  	[hbm:s16], [sflag:s3] =	dma.local @!p0 [spmem:s12], $0x100  }
0x29: {  	_ =	swait.ge @!p0 [sflag:s9], $0x100  }
0x2a: {  	[sflag:s9] =	ssyncset.done @!p0 $0x0  }
.LBB2_1:
0x2b: {  	s17 =	sadd.s32 $0xFFFFFFFF, s17;
	[sflag:s9] =	ssyncadd.s32 @!p0 $0xFFFFFF00  }
0x2c: {  	[spmem:s4], [sflag:s3] =	dma.local [hbm:s2], $0x270  }
0x2d: {  	p1 =	sne.s32 s17, $0x0;
	_ =	swait.ge [sflag:s5], $0x270  }
0x2e: {  	[sflag:s5] =	ssyncset.done $0x0  }
0x2f: {  	[sflag:s5] =	ssyncadd.s32 $0xFFFFFD90  }
0x30: {  	[spmem:s7], [sflag:s3] =	dma.local [hbm:s6], $0x2700  }
0x31: {  	_ =	swait.ge [sflag:s5], $0x2700  }
0x32: {  	[sflag:s5] =	ssyncset.done $0x0  }
0x33: {  	[sflag:s5] =	ssyncadd.s32 $0xFFFFD900  }
0x34: {  	[spmem:s10], [sflag:s3] =	dma.local @!p0 [hbm:s8], $0x10  }
0x35: {  	_ =	swait.ge @!p0 [sflag:s9], $0x10  }
0x36: {  	[sflag:s9] =	ssyncset.done @!p0 $0x0  }
0x37: {  	[sflag:s9] =	ssyncadd.s32 @!p0 $0xFFFFFFF0  }
0x38: {  	[spmem:s12], [sflag:s3] =	dma.local @!p0 [hbm:s11], $0x100  }
0x39: {  	_ =	swait.ge @!p0 [sflag:s9], $0x100  }
0x3a: {  	[sflag:s9] =	ssyncset.done @!p0 $0x0  }
0x3b: {  	[sflag:s9] =	ssyncadd.s32 @!p0 $0xFFFFFF00  }
0x3c: {  	[bflag:$0x0] =	sbarrier.arrive $0xFFFF  }
0x3d: {  	[bflag:$0x0] =	sbarrier.arrive $0xFFFF  }
0x3e: {  	[hbm:s13], [sflag:s3] =	dma.local [spmem:s4], $0x270  }
0x3f: {  	_ =	swait.ge [sflag:s5], $0x270  }
0x40: {  	[sflag:s5] =	ssyncset.done $0x0  }
0x41: {  	[sflag:s5] =	ssyncadd.s32 $0xFFFFFD90  }
0x42: {  	[hbm:s14], [sflag:s3] =	dma.local [spmem:s7], $0x2700  }
0x43: {  	_ =	swait.ge [sflag:s5], $0x2700  }
0x44: {  	[sflag:s5] =	ssyncset.done $0x0  }
0x45: {  	[sflag:s5] =	ssyncadd.s32 $0xFFFFD900  }
0x46: {  	[hbm:s15], [sflag:s3] =	dma.local @!p0 [spmem:s10], $0x10  }
0x47: {  	_ =	swait.ge @!p0 [sflag:s9], $0x10  }
.Ltmp1:
0x48: {  	[sflag:s9] =	ssyncset.done @!p0 $0x0;
	(pc) =	sbr.rel @p1 .LBB2_1-.Ltmp1, $4  }
0x49: {  	[sflag:s9] =	ssyncadd.s32 @!p0 $0xFFFFFFF0  }
0x4a: {  	[hbm:s16], [sflag:s3] =	dma.local @!p0 [spmem:s12], $0x100  }
0x4b: {  	_ =	swait.ge @!p0 [sflag:s9], $0x100  }
0x4c: {  	[sflag:s9] =	ssyncset.done @!p0 $0x0  }
.LBB2_2:
0x4d: {  	[sflag:s9] =	ssyncadd.s32 @!p0 $0xFFFFFF00  }
0x4e: {  	_ =	sfence.sel $0x180000  }
0x4f: {  	[bflag:$0x0] =	sbarrier.arrive $0xFFFF  }
0x50: {  	p0 =	sne.s32 s0, $0x0;
	_ =	strace $0x9000004A  }
0x51: {  	s0 =	sadd.s32 @!p0 $0x100000, s1;
	[bflag:$0x2] =	sbarrier.arrive $0xFFFF  }
0x52: {  	[sflag:s0] =	ssyncadd.tile.s32 @!p0 $0x1;
	_ =	shalt  }
.Lfunc_end2:
_tile_overlayer_lowered:
.L_overlay_start_2:
0x53: {  	(tag) =	ssettag $0x2  }
0x54: {  	s0 =	rddreg [dreg:$0x0];
	s2 =	stileid.u32  }
0x55: {  	s1 =	rddreg [dreg:$0x1];
	p0 =	sne.s32 s2, $0x0  }
0x56: {  	s3 =	rddreg [dreg:$0x2];
	[bflag:$0x3] =	sbarrier.arrive $0xFFFF;
	s2 =	simm.s32 @!p0 $0x1C01  }
0x57: {  	[timem:s3], [sflag:s2] =	dma.local @!p0 [hbm:s0], s1  }
0x58: {  	s0 =	simm.s32 @!p0 $0x1  }
0x59: {  	_ =	swait.ge @!p0 [sflag:s0], s1  }
0x5a: {  	s1 =	ssub.s32 @!p0 $0x0, s1;
	[sflag:s0] =	ssyncset.done @!p0 $0x0  }
0x5b: {  	[sflag:s0] =	ssyncadd.s32 @!p0 s1  }
0x5c: {  	[bflag:$0x3] =	sbarrier.arrive $0xFFFF  }
0x5d: {  	_ =	shalt  }

// kernel: kernel.7.cloned.1.call-start
scs
__scs_entry_jumppad:
0x0: {  	(pc) =	sbr.rel $0x88, $3  }
0x1: {  	(tag) =	ssettag $0x0;
	lr =	simm.s32 $0x1  }
0x2: {  	[smem:$0x3F99] =	sst lr;
	_ =	strace $0xD0000000  }
0x3: {  	_ = 	snop  }
0x4: {  	_ = 	snop  }
0x5: {  	_ = 	snop  }
0x6: {  	_ = 	snop  }
0x7: {  	_ = 	snop  }
__scs_overlays_trampoline_lowered:
0x8: {  	[smem:$0x3FA8] =	sst s0  }
0x9: {  	[smem:$0x3FA9] =	sst s1  }
0xa: {  	[smem:$0x3FAA] =	sst s2  }
0xb: {  	[smem:$0x3FAB] =	sst s3  }
0xc: {  	[smem:$0x3FAC] =	sst s4  }
0xd: {  	[smem:$0x3FAD] =	sst s5  }
0xe: {  	[smem:$0x3FAE] =	sst s6  }
0xf: {  	[smem:$0x3FAF] =	sst s7  }
0x10: {  	[smem:$0x3FB0] =	sst s8  }
0x11: {  	[smem:$0x3FB1] =	sst s9;
	s0 =	simm.s32 @!p0 $0x0  }
0x12: {  	s1 =	sld [smem:$0x3F97];
	s0 =	simm.s32 @p0 $0x1  }
0x13: {  	[smem:$0x3FB2] =	sst s0;
	s0 =	simm.s32 @!p1 $0x0  }
0x14: {  	s2 =	sld [smem:$0x3F96];
	s0 =	simm.s32 @p1 $0x1  }
0x15: {  	[smem:$0x3FB3] =	sst s0;
	s0 =	simm.s32 @!p2 $0x0  }
0x16: {  	s3 =	sld [smem:$0x3FDB];
	s0 =	simm.s32 @p2 $0x1  }
0x17: {  	s4 =	simm.s32 $0x1BF5;
	[smem:$0x3FB5] =	sst s0  }
0x18: {  	s0 =	sld [smem:$0x3F98];
	_ =	swait.ge [sflag:s4], $0x0  }
0x19: {  	s7 =	sld [smem:$0x3F99]  }
0x1a: {  	s8 =	sadd.s32 $0xFFFFE003, lr  }
0x1b: {  	s9 =	sadd.s32 $0xFFFFFEF7, lr;
	s5 =	simm.s32 $0xFFFFFFFF;
	p2 =	slt.u32 s8, $0xFFFFF086  }
0x1c: {  	p1 =	slt.u32 s9, $0xF7A;
	s5 =	simm.s32 @!p2 $0x0  }
0x1d: {  	s5 =	simm.s32 @p1 $0x1;
	p0 =	seq.s32 s7, s2  }
0x1e: {  	s7 =	smul.u32 @!p0 $0xF7A, s2;
	p2 =	seq.s32 @!p0 s5, $0x0  }
0x1f: {  	s9 =	smul.u32 $0xF7A, s1;
	s8 =	simm.s32 @!p0 $0x1BF5;
	p2 =	por !p2, p0  }
0x20: {  	[sflag:s8] =	ssyncset.s32 @!p0 $0xFFFFF086;
	s6 =	sadd.s32 @!p0 s3, s7;
	s7 =	simm.s32 @!p0 $0x108  }
0x21: {  	s3 =	sadd.s32 s3, s9;
	s6 =	sadd.s32 @!p0 $0x88, s6;
	s7 =	simm.s32 @p2 $0x1082  }
0x22: {  	[simem:s7], [sflag:s8] =	dma.local @!p0 [hbm:s6], $0xF7A  }
0x23: {  	s9 =	sor.u32 $0xD0000000, s2;
	s6 =	simm.s32 $0x108;
	_ =	swait.ge @!p0 [sflag:s8], $0x0  }
0x24: {  	s3 =	sadd.s32 $0x88, s3;
	s6 =	simm.s32 @!p1 $0x1082;
	[sflag:s4] =	ssyncset.s32 $0xFFFFF086  }
0x25: {  	[simem:s6], [sflag:s4] =	dma.local [hbm:s3], $0xF7A  }
0x26: {  	[smem:$0x3F99] =	sst s1;
	(tag) =	ssettag s2;
	_ =	strace s9  }
0x27: {  	s1 =	sld [smem:$0x3FA9]  }
0x28: {  	s2 =	sld [smem:$0x3FAA]  }
0x29: {  	s4 =	sld [smem:$0x3FAC]  }
0x2a: {  	p0 =	seq.s32 s5, $0x0;
	s5 =	sld [smem:$0x3FAD]  }
0x2b: {  	s6 =	sld [smem:$0x3FAE]  }
0x2c: {  	s7 =	sld [smem:$0x3FAF]  }
0x2d: {  	s3 =	simm.s32 $0x108;
	s8 =	sld [smem:$0x3FB0]  }
0x2e: {  	s3 =	simm.s32 @!p0 $0x1082;
	s9 =	sld [smem:$0x3FB1]  }
0x2f: {  	lr =	sadd.s32 s0, s3;
	s0 =	sld [smem:$0x3FA8]  }
0x30: {  	s3 =	sld [smem:$0x3FAB]  }
0x31: {  	[smem:$0x3FB4] =	sst s10  }
0x32: {  	s10 =	sld [smem:$0x3FB2];
	_ =	sdelay $0x3  }
0x33: {  	p0 =	seq.s32 s10, $0x1;
	s10 =	sld [smem:$0x3FB4];
	_ =	sdelay $0x3  }
0x34: {  	[smem:$0x3FB4] =	sst s10  }
0x35: {  	s10 =	sld [smem:$0x3FB3];
	_ =	sdelay $0x3  }
0x36: {  	p1 =	seq.s32 s10, $0x1;
	s10 =	sld [smem:$0x3FB4];
	_ =	sdelay $0x3  }
0x37: {  	[smem:$0x3FB4] =	sst s10  }
0x38: {  	s10 =	sld [smem:$0x3FB5]  }
0x39: {  	_ = 	snop;
	(pc) =	sbr.ind lr, $3  }
0x3a: {  	_ = 	snop  }
0x3b: {  	_ = 	snop  }
0x3c: {  	p2 =	seq.s32 s10, $0x1;
	s10 =	sld [smem:$0x3FB4]  }
0x3d: {  	_ =	shalt  }
0x3e: {  	_ =	shalt  }
0x3f: {  	_ =	shalt  }
0x40: {  	_ =	shalt  }
0x41: {  	_ =	shalt  }
0x42: {  	_ =	shalt  }
0x43: {  	_ =	shalt  }
0x44: {  	_ =	shalt  }
0x45: {  	_ =	shalt  }
0x46: {  	_ =	shalt  }
0x47: {  	_ =	shalt  }
0x48: {  	_ =	shalt  }
0x49: {  	_ =	shalt  }
0x4a: {  	_ =	shalt  }
0x4b: {  	_ =	shalt  }
0x4c: {  	_ =	shalt  }
0x4d: {  	_ =	shalt  }
0x4e: {  	_ =	shalt  }
0x4f: {  	_ =	shalt  }
0x50: {  	_ =	shalt  }
0x51: {  	_ =	shalt  }
0x52: {  	_ =	shalt  }
0x53: {  	_ =	shalt  }
0x54: {  	_ =	shalt  }
0x55: {  	_ =	shalt  }
0x56: {  	_ =	shalt  }
0x57: {  	_ =	shalt  }
0x58: {  	_ =	shalt  }
0x59: {  	_ =	shalt  }
0x5a: {  	_ =	shalt  }
0x5b: {  	_ =	shalt  }
0x5c: {  	_ =	shalt  }
0x5d: {  	_ =	shalt  }
0x5e: {  	_ =	shalt  }
0x5f: {  	_ =	shalt  }
0x60: {  	_ =	shalt  }
0x61: {  	_ =	shalt  }
0x62: {  	_ =	shalt  }
0x63: {  	_ =	shalt  }
0x64: {  	_ =	shalt  }
0x65: {  	_ =	shalt  }
0x66: {  	_ =	shalt  }
0x67: {  	_ =	shalt  }
0x68: {  	_ =	shalt  }
0x69: {  	_ =	shalt  }
0x6a: {  	_ =	shalt  }
0x6b: {  	_ =	shalt  }
0x6c: {  	_ =	shalt  }
0x6d: {  	_ =	shalt  }
0x6e: {  	_ =	shalt  }
0x6f: {  	_ =	shalt  }
0x70: {  	_ =	shalt  }
0x71: {  	_ =	shalt  }
0x72: {  	_ =	shalt  }
0x73: {  	_ =	shalt  }
0x74: {  	_ =	shalt  }
0x75: {  	_ =	shalt  }
0x76: {  	_ =	shalt  }
0x77: {  	_ =	shalt  }
0x78: {  	_ =	shalt  }
0x79: {  	_ =	shalt  }
0x7a: {  	_ =	shalt  }
0x7b: {  	_ =	shalt  }
0x7c: {  	_ =	shalt  }
0x7d: {  	_ =	shalt  }
0x7e: {  	_ =	shalt  }
0x7f: {  	_ =	shalt  }
0x80: {  	_ =	shalt  }
0x81: {  	_ =	shalt  }
0x82: {  	_ =	shalt  }
0x83: {  	_ =	shalt  }
0x84: {  	_ =	shalt  }
0x85: {  	_ =	shalt  }
0x86: {  	_ =	shalt  }
0x87: {  	_ =	shalt  }
.Lfunc_end0:
.L_simem_size_0:
called_computation_lowered:
.L_overlay_start_0:
0x88: {  	s2 =	sld [smem:$0x3FD9]  }
0x89: {  	s3 =	sld [smem:$0x3FFE];
	_ =	sdelay $0x1  }
0x8a: {  	s1 =	srdreg.scid  }
0x8b: {  	s0 =	sand.u32 $0x1, s1  }
0x8c: {  	s17 =	sshll.u32 s0, $0xA;
	s2 =	sadd.s32 s3, s2  }
0x8d: {  	s2 =	sadd.s32 s2, s17  }
0x8e: {  	[smem:$0x3FC0] =	sst s2  }
0x8f: {  	_ = 	snop  }
0x90: {  	s2 =	sld [smem:$0x3FD0];
	(tm) =	ssettm $0x1  }
0x91: {  	s18 =	sld [smem:$0x3FFB];
	_ =	sdelay $0x3  }
0x92: {  	_ =	strace s18  }
0x93: {  	s3 =	sld [smem:$0x3FFC];
	_ =	sdelay $0x3  }
0x94: {  	_ =	strace s3  }
0x95: {  	s3 =	sld [smem:$0x3FFD];
	_ =	sdelay $0x3  }
0x96: {  	_ =	strace s3  }
0x97: {  	_ =	strace $0x8FFFFFFF  }
0x98: {  	s19 =	sld [smem:$0x3FDB];
	_ =	sdelay $0x1  }
0x99: {  	s4 =	simm.s32 $_scs_section_size  }
0x9a: {  	s5 =	simm.s32 $_size__tile_overlayer_lowered;
	s6 =	simm.s32 $_tile_overlayer_lowered  }
0x9b: {  	s22 =	simm.s32 $0x1BFF;
	s21 =	sshll.u32 s6, $0x1;
	s3 =	sadd.s32 s4, s19  }
0x9c: {  	s7 =	simm.s32 $0x0;
	s20 =	sshll.u32 s5, $0x1;
	s5 =	sadd.s32 s21, s3  }
0x9d: {  	[timem:s7], [sflag:s22] =	dma.local [hbm:s5], s20  }
0x9e: {  	_ =	swait.ge [sflag:s22], s20  }
0x9f: {  	s4 =	ssub.s32 $0x0, s20;
	[sflag:s22] =	ssyncset.done $0x0  }
0xa0: {  	[sflag:s22] =	ssyncadd.s32 s4;
	_ =	sdelay $0x1  }
0xa1: {  	s23 =	simm.s32 $0x1B8B  }
0xa2: {  	_ =	swait.ge [sflag:s23], $0x1  }
0xa3: {  	[sflag:s23] =	ssyncset.done $0x0  }
0xa4: {  	s25 =	simm.s32 $0x1B8E;
	s24 =	sld [smem:$0x3FFE];
	[sflag:s23] =	ssyncadd.s32 $0xFFFFFFFF  }
0xa5: {  	s26 =	simm.s32 $execute0_lowered;
	[smem:$0x3FD2] =	sst s25  }
0xa6: {  	s5 =	sshll.u32 s26, $0x1;
	_ =	strace $0x80000046;
	[dreg:$0x1] =	wrdreg $0xFFFFFFFF  }
0xa7: {  	s28 =	simm.s32 $_size_execute0_lowered;
	s3 =	sadd.s32 s3, s5;
	[dreg:$0x0] =	wrdreg $0x0  }
0xa8: {  	s5 =	sshll.u32 s28, $0x1;
	[dreg:$0x2] =	wrdreg s3  }
0xa9: {  	[dreg:$0x3] =	wrdreg s5  }
0xaa: {  	[dreg:$0x4] =	wrdreg $0xC0  }
0xab: {  	_ =	task [dreg:s7], $0x5FFFF  }
0xac: {  	[dreg:$0x1] =	wrdreg $0xFFFFFFFF  }
0xad: {  	[dreg:$0x0] =	wrdreg $0x60  }
0xae: {  	[dreg:$0x2] =	wrdreg s24  }
0xaf: {  	[dreg:$0x3] =	wrdreg s2  }
0xb0: {  	[dreg:$0x4] =	wrdreg $0x0  }
0xb1: {  	[dreg:$0x5] =	wrdreg $0x13880  }
0xb2: {  	[dreg:$0x6] =	wrdreg $0x9  }
0xb3: {  	_ =	task.clear_ibuf [dreg:s7], $0x7FFFF;
	_ =	strace $0x90000046  }
0xb4: {  	s29 =	simm.s32 $0x9;
	_ =	strace $0x80000048  }
0xb5: {  	_ =	swait.ge [sflag:s29], $0x1  }
0xb6: {  	[sflag:s29] =	ssyncadd.s32 $0xFFFFFFFF  }
0xb7: {  	_ =	strace $0x90000048  }
0xb8: {  	_ =	sfence  }
0xb9: {  	s30 =	sld [smem:$0x0];
	_ =	sdelay $0x2  }
0xba: {  	s31 =	sshll.u32 s1, $0xD;
	s1 =	sshrl.u32 s1, $0x2  }
0xbb: {  	s3 =	sand.u32 $0x4000, s31;
	s1 =	sadd.s32 s1, s30  }
0xbc: {  	s0 =	sor.u32 s3, s0;
	s1 =	sshll.u32 s1, $0x11  }
0xbd: {  	s0 =	sor.u32 s1, s0  }
0xbe: {  	s0 =	sadd.s32 $0x8F2B, s0  }
0xbf: {  	[sflag:s0] =	ssyncadd.remote.s32 $0x1  }
0xc0: {  	_ =	sfence.sel $0xFFFF  }
0xc1: {  	[dreg:$0x0] =	wrdreg $0xFFFFFFFF;
	(pc) =	sbr.abs _section_cstart, $3  }
0xc2: {  	[dreg:$0x1] =	wrdreg $0xFFFFFFFF  }
0xc3: {  	_ =	task.clear_ibuf [dreg:s7], $0x2FFFF;
	_ =	strace $0x9FFFFFFF  }
0xc4: {  	(tm) =	ssettm $0x7FFFFFFF  }
0xc5: {  	_ =	shalt  }
tec
execute0_lowered:
.L_overlay_start_1:
0x0: {  	(tag) =	ssettag $0x1  }
0x1: {  	s13 =	rddreg [dreg:$0x0]  }
0x2: {  	s16 =	rddreg [dreg:$0x1]  }
0x3: {  	s8 =	rddreg [dreg:$0x2]  }
0x4: {  	s0 =	stileid.u32;
	s11 =	rddreg [dreg:$0x3]  }
0x5: {  	s1 =	rddreg [dreg:$0x4];
	s2 =	simm.s32 $0x0;
	s14 =	smul.u32 $0x1380, s0  }
0x6: {  	s5 =	simm.s32 $0x1;
	[smem:$0x7FF] =	sst s2  }
0x7: {  	s15 =	smul.u32 $0x9C00, s0;
	s3 =	sshll.u32 s0, $0x6;
	s25 =	sshrl.u32 s14, $0x3  }
0x8: {  	_ =	strace $0x80000047;
	s4 =	sadd.s32 s14, s8;
	s2 =	sadd.s32 s25, s13  }
0x9: {  	s3 =	sor.u32 $0x1C01, s3;
	s4 =	sshrl.u32 s4, $0x3;
	s2 =	sadd.s32 $0x1BA00, s2  }
0xa: {  	[spmem:s4], [sflag:s3] =	dma.local [hbm:s2], $0x270  }
0xb: {  	s6 =	sshrl.u32 s15, $0x3;
	_ =	swait.ge [sflag:s5], $0x270  }
0xc: {  	s7 =	sadd.s32 s15, s11;
	s6 =	sadd.s32 s6, s13;
	[sflag:s5] =	ssyncset.done $0x0  }
0xd: {  	s7 =	sshrl.u32 s7, $0x3;
	s6 =	sadd.s32 $0x31C00, s6;
	[sflag:s5] =	ssyncadd.s32 $0xFFFFFD90  }
0xe: {  	[spmem:s7], [sflag:s3] =	dma.local [hbm:s6], $0x1380  }
0xf: {  	s9 =	sadd.s32 $0x13800, s8;
	p0 =	sne.s32 s0, $0xF;
	_ =	swait.ge [sflag:s5], $0x1380  }
0x10: {  	s10 =	sshrl.u32 @!p0 s9, $0x3;
	[sflag:s5] =	ssyncset.done $0x0  }
0x11: {  	s9 =	simm.s32 @!p0 $0x1;
	s8 =	sadd.s32 $0x1E100, s13;
	[sflag:s5] =	ssyncadd.s32 $0xFFFFEC80  }
0x12: {  	[spmem:s10], [sflag:s3] =	dma.local @!p0 [hbm:s8], $0x10  }
0x13: {  	s12 =	srdreg.scid;
	_ =	swait.ge @!p0 [sflag:s9], $0x10  }
0x14: {  	s17 =	sand.u32 $0x1, s12;
	s12 =	sadd.s32 $0x9C000, s11;
	[sflag:s9] =	ssyncset.done @!p0 $0x0  }
0x15: {  	s12 =	sshrl.u32 @!p0 s12, $0x3;
	s11 =	sadd.s32 $0x45400, s13;
	[sflag:s9] =	ssyncadd.s32 @!p0 $0xFFFFFFF0  }
0x16: {  	[spmem:s12], [sflag:s3] =	dma.local @!p0 [hbm:s11], $0x80  }
0x17: {  	s18 =	smul.u32 $0x13880, s17;
	_ =	swait.ge @!p0 [sflag:s9], $0x80  }
0x18: {  	[sflag:s9] =	ssyncset.done @!p0 $0x0  }
0x19: {  	s14 =	sadd.s32 s14, s18;
	[sflag:s9] =	ssyncadd.s32 @!p0 $0xFFFFFF80  }
0x1a: {  	s19 =	sadd.s32 $0x45600, s13;
	s26 =	sshrl.u32 s14, $0x3;
	[bflag:$0x0] =	sbarrier.arrive $0xFFFF  }
0x1b: {  	s20 =	smul.u32 $0x9C400, s17;
	s13 =	sadd.s32 s19, s26;
	[bflag:$0x0] =	sbarrier.arrive $0xFFFF  }
0x1c: {  	[hbm:s13], [sflag:s3] =	dma.local [spmem:s4], $0x270  }
0x1d: {  	s28 =	sadd.s32 s15, s20;
	_ =	swait.ge [sflag:s5], $0x270  }
0x1e: {  	s17 =	ssub.s32 $0x2, s17;
	s14 =	sshrl.u32 s28, $0x3;
	[sflag:s5] =	ssyncset.done $0x0  }
0x1f: {  	s30 =	sshrl.u32 s17, $0x1;
	s14 =	sadd.s32 s16, s14;
	[sflag:s5] =	ssyncadd.s32 $0xFFFFFD90  }
0x20: {  	[hbm:s14], [sflag:s3] =	dma.local [spmem:s7], $0x1380  }
0x21: {  	s29 =	sshrl.u32 s18, $0x3;
	s17 =	ssub.s32 s17, s30;
	_ =	swait.ge [sflag:s5], $0x1380  }
0x22: {  	s15 =	sadd.s32 s19, s29;
	s17 =	smax.u32 s17, $0x1;
	[sflag:s5] =	ssyncset.done $0x0  }
0x23: {  	s15 =	sadd.s32 $0x2700, s15;
	s17 =	sadd.s32 $0xFFFFFFFF, s17;
	[sflag:s5] =	ssyncadd.s32 $0xFFFFEC80  }
0x24: {  	[hbm:s15], [sflag:s3] =	dma.local @!p0 [spmem:s10], $0x10  }
0x25: {  	s31 =	sshrl.u32 s20, $0x3;
	p1 =	sne.s32 s17, $0x0;
	_ =	swait.ge @!p0 [sflag:s9], $0x10  }
.Ltmp0:
0x26: {  	s16 =	sadd.s32 s16, s31;
	[sflag:s9] =	ssyncset.done @!p0 $0x0;
	(pc) =	sbr.rel @!p1 .LBB2_2-.Ltmp0, $4  }
0x27: {  	s16 =	sadd.s32 $0x13800, s16;
	[sflag:s9] =	ssyncadd.s32 @!p0 $0xFFFFFFF0  }
0x28: {  	[hbm:s16], [sflag:s3] =	dma.local @!p0 [spmem:s12], $0x80  }
0x29: {  	_ =	swait.ge @!p0 [sflag:s9], $0x80  }
0x2a: {  	[sflag:s9] =	ssyncset.done @!p0 $0x0  }
.LBB2_1:
0x2b: {  	s17 =	sadd.s32 $0xFFFFFFFF, s17;
	[sflag:s9] =	ssyncadd.s32 @!p0 $0xFFFFFF80  }
0x2c: {  	[spmem:s4], [sflag:s3] =	dma.local [hbm:s2], $0x270  }
0x2d: {  	p1 =	sne.s32 s17, $0x0;
	_ =	swait.ge [sflag:s5], $0x270  }
0x2e: {  	[sflag:s5] =	ssyncset.done $0x0  }
0x2f: {  	[sflag:s5] =	ssyncadd.s32 $0xFFFFFD90  }
0x30: {  	[spmem:s7], [sflag:s3] =	dma.local [hbm:s6], $0x1380  }
0x31: {  	_ =	swait.ge [sflag:s5], $0x1380  }
0x32: {  	[sflag:s5] =	ssyncset.done $0x0  }
0x33: {  	[sflag:s5] =	ssyncadd.s32 $0xFFFFEC80  }
0x34: {  	[spmem:s10], [sflag:s3] =	dma.local @!p0 [hbm:s8], $0x10  }
0x35: {  	_ =	swait.ge @!p0 [sflag:s9], $0x10  }
0x36: {  	[sflag:s9] =	ssyncset.done @!p0 $0x0  }
0x37: {  	[sflag:s9] =	ssyncadd.s32 @!p0 $0xFFFFFFF0  }
0x38: {  	[spmem:s12], [sflag:s3] =	dma.local @!p0 [hbm:s11], $0x80  }
0x39: {  	_ =	swait.ge @!p0 [sflag:s9], $0x80  }
0x3a: {  	[sflag:s9] =	ssyncset.done @!p0 $0x0  }
0x3b: {  	[sflag:s9] =	ssyncadd.s32 @!p0 $0xFFFFFF80  }
0x3c: {  	[bflag:$0x0] =	sbarrier.arrive $0xFFFF  }
0x3d: {  	[bflag:$0x0] =	sbarrier.arrive $0xFFFF  }
0x3e: {  	[hbm:s13], [sflag:s3] =	dma.local [spmem:s4], $0x270  }
0x3f: {  	_ =	swait.ge [sflag:s5], $0x270  }
0x40: {  	[sflag:s5] =	ssyncset.done $0x0  }
0x41: {  	[sflag:s5] =	ssyncadd.s32 $0xFFFFFD90  }
0x42: {  	[hbm:s14], [sflag:s3] =	dma.local [spmem:s7], $0x1380  }
0x43: {  	_ =	swait.ge [sflag:s5], $0x1380  }
0x44: {  	[sflag:s5] =	ssyncset.done $0x0  }
0x45: {  	[sflag:s5] =	ssyncadd.s32 $0xFFFFEC80  }
0x46: {  	[hbm:s15], [sflag:s3] =	dma.local @!p0 [spmem:s10], $0x10  }
0x47: {  	_ =	swait.ge @!p0 [sflag:s9], $0x10  }
.Ltmp1:
0x48: {  	[sflag:s9] =	ssyncset.done @!p0 $0x0;
	(pc) =	sbr.rel @p1 .LBB2_1-.Ltmp1, $4  }
0x49: {  	[sflag:s9] =	ssyncadd.s32 @!p0 $0xFFFFFFF0  }
0x4a: {  	[hbm:s16], [sflag:s3] =	dma.local @!p0 [spmem:s12], $0x80  }
0x4b: {  	_ =	swait.ge @!p0 [sflag:s9], $0x80  }
0x4c: {  	[sflag:s9] =	ssyncset.done @!p0 $0x0  }
.LBB2_2:
0x4d: {  	[sflag:s9] =	ssyncadd.s32 @!p0 $0xFFFFFF80  }
0x4e: {  	_ =	sfence.sel $0x180000  }
0x4f: {  	[bflag:$0x0] =	sbarrier.arrive $0xFFFF  }
0x50: {  	p0 =	sne.s32 s0, $0x0;
	_ =	strace $0x90000047  }
0x51: {  	s0 =	sadd.s32 @!p0 $0x100000, s1;
	[bflag:$0x2] =	sbarrier.arrive $0xFFFF  }
0x52: {  	[sflag:s0] =	ssyncadd.tile.s32 @!p0 $0x1;
	_ =	shalt  }
.Lfunc_end2:
_tile_overlayer_lowered:
.L_overlay_start_2:
0x53: {  	(tag) =	ssettag $0x2  }
0x54: {  	s0 =	rddreg [dreg:$0x0];
	s2 =	stileid.u32  }
0x55: {  	s1 =	rddreg [dreg:$0x1];
	p0 =	sne.s32 s2, $0x0  }
0x56: {  	s3 =	rddreg [dreg:$0x2];
	[bflag:$0x3] =	sbarrier.arrive $0xFFFF;
	s2 =	simm.s32 @!p0 $0x1C01  }
0x57: {  	[timem:s3], [sflag:s2] =	dma.local @!p0 [hbm:s0], s1  }
0x58: {  	s0 =	simm.s32 @!p0 $0x1  }
0x59: {  	_ =	swait.ge @!p0 [sflag:s0], s1  }
0x5a: {  	s1 =	ssub.s32 @!p0 $0x0, s1;
	[sflag:s0] =	ssyncset.done @!p0 $0x0  }
0x5b: {  	[sflag:s0] =	ssyncadd.s32 @!p0 s1  }
0x5c: {  	[bflag:$0x3] =	sbarrier.arrive $0xFFFF  }
0x5d: {  	_ =	shalt  }

</sc_bundles>
